<compile_context>
chip_gen: v7x
topology: tpu7x:2x2x1
jax: 0.10.2.dev20260603
libtpu: 0.0.44.dev20260713+nightly
codegen_flags: <defaults>
</compile_context>

<pallas_src>
import functools

import jax
import jax.numpy as jnp
from jax import lax
from jax.experimental import pallas as pl
from jax.experimental.pallas import tpu as pltpu
from jax.experimental.pallas import tpu_sc as plsc

D_MODEL = 64
N_TF = 12
TPAD = 16
N_T = 16384
N_R = 200
LANES = 16

_DNUMS = lax.GatherDimensionNumbers(
    offset_dims=(), collapsed_slice_dims=(0,), start_index_map=(0,))


def _make_kernel():
    info = plsc.get_sparse_core_info()
    nw = info.num_cores * info.num_subcores
    t_per_w = N_T // nw
    n_tb = t_per_w // LANES
    NPRE = 4

    mesh = plsc.VectorSubcoreMesh(core_axis_name="c", subcore_axis_name="s")

    @functools.partial(
        pl.kernel,
        mesh=mesh,
        compiler_params=pltpu.CompilerParams(needs_layout_passes=False),
        out_type=jax.ShapeDtypeStruct((N_R, D_MODEL, N_T), jnp.float32),
        scratch_types=[
            pltpu.VMEM((TPAD * D_MODEL,), jnp.float32),
            pltpu.VMEM((NPRE, t_per_w), jnp.int32),
            pltpu.VMEM((2, D_MODEL, t_per_w), jnp.float32),
            pltpu.SemaphoreType.DMA((NPRE,)),
            pltpu.SemaphoreType.DMA((2,)),
        ],
    )
    def emb_kernel(tab_hbm, idx_hbm, out_hbm, tab_v, idx_v, blk_v, isem, osem):
        cid = lax.axis_index("c")
        sid = lax.axis_index("s")
        wid = sid * info.num_cores + cid
        t0 = wid * t_per_w

        pltpu.sync_copy(tab_hbm, tab_v)

        def fire_idx(r, slot):
            return pltpu.async_copy(
                idx_hbm.at[r, pl.ds(t0, t_per_w)], idx_v.at[slot],
                isem.at[slot])

        def wait_idx(r, slot):
            pltpu.make_async_copy(
                idx_hbm.at[r, pl.ds(t0, t_per_w)], idx_v.at[slot],
                isem.at[slot]).wait()

        def fire_out(r, slot):
            return pltpu.async_copy(
                blk_v.at[slot], out_hbm.at[r, :, pl.ds(t0, t_per_w)],
                osem.at[slot])

        def wait_out(r, slot):
            pltpu.make_async_copy(
                blk_v.at[slot], out_hbm.at[r, :, pl.ds(t0, t_per_w)],
                osem.at[slot]).wait()

        for p in range(NPRE):
            fire_idx(p, p)

        def outer(g, carry):
            for par in range(NPRE):
                r = g * NPRE + par
                bslot = par % 2
                wait_idx(r, par)

                @pl.when(r >= 2)
                def _():
                    wait_out(r - 2, bslot)

                def cbody(c, c2):
                    tabvec = tab_v[pl.ds(c * TPAD, TPAD)]

                    @plsc.parallel_loop(0, n_tb, unroll=16)
                    def _(tb):
                        idxv = idx_v[par, pl.ds(tb * LANES, LANES)]
                        vals = lax.gather(
                            tabvec, idxv.reshape(LANES, 1), _DNUMS, (1,),
                            mode=lax.GatherScatterMode.PROMISE_IN_BOUNDS)
                        blk_v[bslot, c, pl.ds(tb * LANES, LANES)] = vals

                    return c2

                lax.fori_loop(0, D_MODEL, cbody, 0)
                fire_out(r, bslot)

                @pl.when(r + NPRE < N_R)
                def _():
                    fire_idx(r + NPRE, par)
            return carry

        lax.fori_loop(0, N_R // NPRE, outer, 0)

        wait_out(N_R - 2, 0)
        wait_out(N_R - 1, 1)

    return emb_kernel


_EMB_KERNEL = _make_kernel()


def kernel(tf_idx, emb_weight):
    tab_t = jnp.zeros((D_MODEL, TPAD), jnp.float32)
    tab_t = tab_t.at[:, :N_TF].set(emb_weight.T).reshape(TPAD * D_MODEL)
    idx_t = tf_idx.T
    out_t = _EMB_KERNEL(tab_t, idx_t)
    return jnp.transpose(out_t, (2, 0, 1))

# --- scband reference (transcript-rebuilt; emitter-appended) ---
"""Pipeline reference for scband-timeframe-embedding-77240691851681 (READ-ONLY COPY).

The authoritative reference and input builder live on the scoring server;
editing this copy changes nothing except your own understanding.
"""

import jax, jax.numpy as jnp
import numpy as np

D_MODEL = 64
NUM_TIMEFRAMES = 12

def setup_inputs(seed: int = 0) -> dict:
    key = jax.random.key(seed)
    k_idx, k_emb = jax.random.split(key)
    tf_idx = jax.random.randint(k_idx, (16384, 200), 0, NUM_TIMEFRAMES, dtype=jnp.int64 if jax.config.jax_enable_x64 else jnp.int32)
    # nn.Embedding default init: N(0, 1)
    emb_weight = jax.random.normal(k_emb, (NUM_TIMEFRAMES, D_MODEL), dtype=jnp.float32)
    return {"tf_idx": tf_idx, "emb_weight": emb_weight}

def reference(tf_idx, emb_weight):
    # TimeframeEmbedding.forward: self.emb(tf_idx)
    return jnp.take(emb_weight, tf_idx, axis=0)

if __name__ == "__main__":
    import jax
    _d = setup_inputs()
    print(jax.jit(kernel)(*tuple(_d.values())))

</pallas_src>

<mosaic_0001>
#map = affine_map<(d0, d1) -> (0)>
#map1 = affine_map<(d0, d1) -> (0, 0)>
#map2 = affine_map<(d0, d1) -> (0, 0, 0)>
module attributes {stable_mosaic.version = 14 : i64} {
  func.func @emb_kernel(%arg0: i32, %arg1: i32, %arg2: memref<1024xf32, #tpu.memory_space<hbm>>, %arg3: memref<200x16384xi32, #tpu.memory_space<hbm>>, %arg4: memref<200x64x16384xf32, #tpu.memory_space<hbm>>, %arg5: memref<1024xf32, #tpu.memory_space<vmem>>, %arg6: memref<4x512xi32, #tpu.memory_space<vmem>>, %arg7: memref<2x64x512xf32, #tpu.memory_space<vmem>>, %arg8: memref<4x!tpu.dma_semaphore, #tpu.memory_space<semaphore_mem>>, %arg9: memref<2x!tpu.dma_semaphore, #tpu.memory_space<semaphore_mem>>) attributes {dimension_semantics = [#tpu.dimension_semantics<core_parallel>, #tpu.dimension_semantics<subcore_parallel>], iteration_bounds = array<i64: 2, 16>, scalar_prefetch = 0 : i64, scratch_operands = 5 : i64, tpu.core_type = #tpu.core_type<sc_vector_subcore>, window_params = [{transform_indices = #map}, {transform_indices = #map1}, {transform_indices = #map2}]} {
    %mul3A = arith.constant 2 : i32
    %mul3A_0 = arith.muli %arg1, %mul3A : i32
    %add3A = arith.addi %mul3A_0, %arg0 : i32
    %mul3A_1 = arith.constant 512 : i32
    %mul3A_2 = arith.muli %add3A, %mul3A_1 : i32
    "tpu.region"() ({
      %run_scoped3A = tpu.sem_alloc : memref<!tpu.dma_semaphore, #tpu.memory_space<semaphore_mem>>
      tpu.enqueue_dma source(%arg2 : memref<1024xf32, #tpu.memory_space<hbm>>) target(%arg5 : memref<1024xf32, #tpu.memory_space<vmem>>) target_semaphore(%run_scoped3A : memref<!tpu.dma_semaphore, #tpu.memory_space<semaphore_mem>>)
      tpu.wait_dma2 semaphore(%run_scoped3A : memref<!tpu.dma_semaphore, #tpu.memory_space<semaphore_mem>>) src(%arg2 : memref<1024xf32, #tpu.memory_space<hbm>>) dst(%arg5 : memref<1024xf32, #tpu.memory_space<vmem>>)
      tpu.yield
    }) : () -> ()
    %dma_start3A = arith.constant 0 : i32
    %dma_start3A_3 = arith.constant 0 : i32
    %dma_start3A_4 = arith.constant 0 : i32
    %dma_start3A_5 = arith.constant 0 : i32
    %dma_start3A_6 = tpu.memref_slice %arg6[%dma_start3A_3, %dma_start3A_5] : memref<4x512xi32, #tpu.memory_space<vmem>> -> memref<1x512xi32, #tpu.memory_space<vmem>>
    %dma_start3A_7 = tpu.memref_squeeze %dma_start3A_6 : memref<1x512xi32, #tpu.memory_space<vmem>> -> memref<512xi32, #tpu.memory_space<vmem>>
    %dma_start3A_8 = tpu.memref_slice %arg3[%dma_start3A, %mul3A_2] : memref<200x16384xi32, #tpu.memory_space<hbm>> -> memref<1x512xi32, #tpu.memory_space<hbm>>
    %dma_start3A_9 = tpu.memref_squeeze %dma_start3A_8 : memref<1x512xi32, #tpu.memory_space<hbm>> -> memref<512xi32, #tpu.memory_space<hbm>>
    %dma_start3A_10 = tpu.memref_slice %arg8[%dma_start3A_4] : memref<4x!tpu.dma_semaphore, #tpu.memory_space<semaphore_mem>> -> memref<1x!tpu.dma_semaphore, #tpu.memory_space<semaphore_mem>>
    %dma_start3A_11 = tpu.memref_squeeze %dma_start3A_10 : memref<1x!tpu.dma_semaphore, #tpu.memory_space<semaphore_mem>> -> memref<!tpu.dma_semaphore, #tpu.memory_space<semaphore_mem>>
    %dma_start3A_12 = arith.constant 0 : i32
    %dma_start3A_13 = tpu.memref_slice %arg6[%dma_start3A_3, %dma_start3A_12] : memref<4x512xi32, #tpu.memory_space<vmem>> -> memref<1x512xi32, #tpu.memory_space<vmem>>
    %dma_start3A_14 = tpu.memref_squeeze %dma_start3A_13 : memref<1x512xi32, #tpu.memory_space<vmem>> -> memref<512xi32, #tpu.memory_space<vmem>>
    %dma_start3A_15 = tpu.memref_slice %arg3[%dma_start3A, %mul3A_2] : memref<200x16384xi32, #tpu.memory_space<hbm>> -> memref<1x512xi32, #tpu.memory_space<hbm>>
    %dma_start3A_16 = tpu.memref_squeeze %dma_start3A_15 : memref<1x512xi32, #tpu.memory_space<hbm>> -> memref<512xi32, #tpu.memory_space<hbm>>
    tpu.enqueue_dma source(%dma_start3A_16 : memref<512xi32, #tpu.memory_space<hbm>>) target(%dma_start3A_14 : memref<512xi32, #tpu.memory_space<vmem>>) target_semaphore(%dma_start3A_11 : memref<!tpu.dma_semaphore, #tpu.memory_space<semaphore_mem>>)
    %dma_start3A_17 = arith.constant 1 : i32
    %dma_start3A_18 = arith.constant 1 : i32
    %dma_start3A_19 = arith.constant 1 : i32
    %dma_start3A_20 = arith.constant 0 : i32
    %dma_start3A_21 = tpu.memref_slice %arg6[%dma_start3A_18, %dma_start3A_20] : memref<4x512xi32, #tpu.memory_space<vmem>> -> memref<1x512xi32, #tpu.memory_space<vmem>>
    %dma_start3A_22 = tpu.memref_squeeze %dma_start3A_21 : memref<1x512xi32, #tpu.memory_space<vmem>> -> memref<512xi32, #tpu.memory_space<vmem>>
    %dma_start3A_23 = tpu.memref_slice %arg3[%dma_start3A_17, %mul3A_2] : memref<200x16384xi32, #tpu.memory_space<hbm>> -> memref<1x512xi32, #tpu.memory_space<hbm>>
    %dma_start3A_24 = tpu.memref_squeeze %dma_start3A_23 : memref<1x512xi32, #tpu.memory_space<hbm>> -> memref<512xi32, #tpu.memory_space<hbm>>
    %dma_start3A_25 = tpu.memref_slice %arg8[%dma_start3A_19] : memref<4x!tpu.dma_semaphore, #tpu.memory_space<semaphore_mem>> -> memref<1x!tpu.dma_semaphore, #tpu.memory_space<semaphore_mem>>
    %dma_start3A_26 = tpu.memref_squeeze %dma_start3A_25 : memref<1x!tpu.dma_semaphore, #tpu.memory_space<semaphore_mem>> -> memref<!tpu.dma_semaphore, #tpu.memory_space<semaphore_mem>>
    %dma_start3A_27 = arith.constant 0 : i32
    %dma_start3A_28 = tpu.memref_slice %arg6[%dma_start3A_18, %dma_start3A_27] : memref<4x512xi32, #tpu.memory_space<vmem>> -> memref<1x512xi32, #tpu.memory_space<vmem>>
    %dma_start3A_29 = tpu.memref_squeeze %dma_start3A_28 : memref<1x512xi32, #tpu.memory_space<vmem>> -> memref<512xi32, #tpu.memory_space<vmem>>
    %dma_start3A_30 = tpu.memref_slice %arg3[%dma_start3A_17, %mul3A_2] : memref<200x16384xi32, #tpu.memory_space<hbm>> -> memref<1x512xi32, #tpu.memory_space<hbm>>
    %dma_start3A_31 = tpu.memref_squeeze %dma_start3A_30 : memref<1x512xi32, #tpu.memory_space<hbm>> -> memref<512xi32, #tpu.memory_space<hbm>>
    tpu.enqueue_dma source(%dma_start3A_31 : memref<512xi32, #tpu.memory_space<hbm>>) target(%dma_start3A_29 : memref<512xi32, #tpu.memory_space<vmem>>) target_semaphore(%dma_start3A_26 : memref<!tpu.dma_semaphore, #tpu.memory_space<semaphore_mem>>)
    %dma_start3A_32 = arith.constant 2 : i32
    %dma_start3A_33 = arith.constant 2 : i32
    %dma_start3A_34 = arith.constant 2 : i32
    %dma_start3A_35 = arith.constant 0 : i32
    %dma_start3A_36 = tpu.memref_slice %arg6[%dma_start3A_33, %dma_start3A_35] : memref<4x512xi32, #tpu.memory_space<vmem>> -> memref<1x512xi32, #tpu.memory_space<vmem>>
    %dma_start3A_37 = tpu.memref_squeeze %dma_start3A_36 : memref<1x512xi32, #tpu.memory_space<vmem>> -> memref<512xi32, #tpu.memory_space<vmem>>
    %dma_start3A_38 = tpu.memref_slice %arg3[%dma_start3A_32, %mul3A_2] : memref<200x16384xi32, #tpu.memory_space<hbm>> -> memref<1x512xi32, #tpu.memory_space<hbm>>
    %dma_start3A_39 = tpu.memref_squeeze %dma_start3A_38 : memref<1x512xi32, #tpu.memory_space<hbm>> -> memref<512xi32, #tpu.memory_space<hbm>>
    %dma_start3A_40 = tpu.memref_slice %arg8[%dma_start3A_34] : memref<4x!tpu.dma_semaphore, #tpu.memory_space<semaphore_mem>> -> memref<1x!tpu.dma_semaphore, #tpu.memory_space<semaphore_mem>>
    %dma_start3A_41 = tpu.memref_squeeze %dma_start3A_40 : memref<1x!tpu.dma_semaphore, #tpu.memory_space<semaphore_mem>> -> memref<!tpu.dma_semaphore, #tpu.memory_space<semaphore_mem>>
    %dma_start3A_42 = arith.constant 0 : i32
    %dma_start3A_43 = tpu.memref_slice %arg6[%dma_start3A_33, %dma_start3A_42] : memref<4x512xi32, #tpu.memory_space<vmem>> -> memref<1x512xi32, #tpu.memory_space<vmem>>
    %dma_start3A_44 = tpu.memref_squeeze %dma_start3A_43 : memref<1x512xi32, #tpu.memory_space<vmem>> -> memref<512xi32, #tpu.memory_space<vmem>>
    %dma_start3A_45 = tpu.memref_slice %arg3[%dma_start3A_32, %mul3A_2] : memref<200x16384xi32, #tpu.memory_space<hbm>> -> memref<1x512xi32, #tpu.memory_space<hbm>>
    %dma_start3A_46 = tpu.memref_squeeze %dma_start3A_45 : memref<1x512xi32, #tpu.memory_space<hbm>> -> memref<512xi32, #tpu.memory_space<hbm>>
    tpu.enqueue_dma source(%dma_start3A_46 : memref<512xi32, #tpu.memory_space<hbm>>) target(%dma_start3A_44 : memref<512xi32, #tpu.memory_space<vmem>>) target_semaphore(%dma_start3A_41 : memref<!tpu.dma_semaphore, #tpu.memory_space<semaphore_mem>>)
    %dma_start3A_47 = arith.constant 3 : i32
    %dma_start3A_48 = arith.constant 3 : i32
    %dma_start3A_49 = arith.constant 3 : i32
    %dma_start3A_50 = arith.constant 0 : i32
    %dma_start3A_51 = tpu.memref_slice %arg6[%dma_start3A_48, %dma_start3A_50] : memref<4x512xi32, #tpu.memory_space<vmem>> -> memref<1x512xi32, #tpu.memory_space<vmem>>
    %dma_start3A_52 = tpu.memref_squeeze %dma_start3A_51 : memref<1x512xi32, #tpu.memory_space<vmem>> -> memref<512xi32, #tpu.memory_space<vmem>>
    %dma_start3A_53 = tpu.memref_slice %arg3[%dma_start3A_47, %mul3A_2] : memref<200x16384xi32, #tpu.memory_space<hbm>> -> memref<1x512xi32, #tpu.memory_space<hbm>>
    %dma_start3A_54 = tpu.memref_squeeze %dma_start3A_53 : memref<1x512xi32, #tpu.memory_space<hbm>> -> memref<512xi32, #tpu.memory_space<hbm>>
    %dma_start3A_55 = tpu.memref_slice %arg8[%dma_start3A_49] : memref<4x!tpu.dma_semaphore, #tpu.memory_space<semaphore_mem>> -> memref<1x!tpu.dma_semaphore, #tpu.memory_space<semaphore_mem>>
    %dma_start3A_56 = tpu.memref_squeeze %dma_start3A_55 : memref<1x!tpu.dma_semaphore, #tpu.memory_space<semaphore_mem>> -> memref<!tpu.dma_semaphore, #tpu.memory_space<semaphore_mem>>
    %dma_start3A_57 = arith.constant 0 : i32
    %dma_start3A_58 = tpu.memref_slice %arg6[%dma_start3A_48, %dma_start3A_57] : memref<4x512xi32, #tpu.memory_space<vmem>> -> memref<1x512xi32, #tpu.memory_space<vmem>>
    %dma_start3A_59 = tpu.memref_squeeze %dma_start3A_58 : memref<1x512xi32, #tpu.memory_space<vmem>> -> memref<512xi32, #tpu.memory_space<vmem>>
    %dma_start3A_60 = tpu.memref_slice %arg3[%dma_start3A_47, %mul3A_2] : memref<200x16384xi32, #tpu.memory_space<hbm>> -> memref<1x512xi32, #tpu.memory_space<hbm>>
    %dma_start3A_61 = tpu.memref_squeeze %dma_start3A_60 : memref<1x512xi32, #tpu.memory_space<hbm>> -> memref<512xi32, #tpu.memory_space<hbm>>
    tpu.enqueue_dma source(%dma_start3A_61 : memref<512xi32, #tpu.memory_space<hbm>>) target(%dma_start3A_59 : memref<512xi32, #tpu.memory_space<vmem>>) target_semaphore(%dma_start3A_56 : memref<!tpu.dma_semaphore, #tpu.memory_space<semaphore_mem>>)
    %scan3A = arith.constant 0 : i32
    %scan3A_62 = arith.constant 0 : i32
    %scan3A_63 = arith.constant 50 : i32
    %scan3A_64 = arith.addi %scan3A_62, %scan3A_63 : i32
    %scan3A_65 = arith.constant 1 : i32
    scf.for %scan3A_104 = %scan3A_62 to %scan3A_64 step %scan3A_65  : i32 {
      %mul3A_105 = arith.constant 4 : i32
      %mul3A_106 = arith.muli %scan3A_104, %mul3A_105 : i32
      %add3A_107 = arith.constant 0 : i32
      %add3A_108 = arith.addi %mul3A_106, %add3A_107 : i32
      %dma_wait3A_109 = arith.constant 0 : i32
      %dma_wait3A_110 = arith.constant 0 : i32
      %dma_wait3A_111 = arith.constant 0 : i32
      %dma_wait3A_112 = tpu.memref_slice %arg6[%dma_wait3A_109, %dma_wait3A_111] : memref<4x512xi32, #tpu.memory_space<vmem>> -> memref<1x512xi32, #tpu.memory_space<vmem>>
      %dma_wait3A_113 = tpu.memref_squeeze %dma_wait3A_112 : memref<1x512xi32, #tpu.memory_space<vmem>> -> memref<512xi32, #tpu.memory_space<vmem>>
      %dma_wait3A_114 = tpu.memref_slice %arg3[%add3A_108, %mul3A_2] : memref<200x16384xi32, #tpu.memory_space<hbm>> -> memref<1x512xi32, #tpu.memory_space<hbm>>
      %dma_wait3A_115 = tpu.memref_squeeze %dma_wait3A_114 : memref<1x512xi32, #tpu.memory_space<hbm>> -> memref<512xi32, #tpu.memory_space<hbm>>
      %dma_wait3A_116 = tpu.memref_slice %arg8[%dma_wait3A_110] : memref<4x!tpu.dma_semaphore, #tpu.memory_space<semaphore_mem>> -> memref<1x!tpu.dma_semaphore, #tpu.memory_space<semaphore_mem>>
      %dma_wait3A_117 = tpu.memref_squeeze %dma_wait3A_116 : memref<1x!tpu.dma_semaphore, #tpu.memory_space<semaphore_mem>> -> memref<!tpu.dma_semaphore, #tpu.memory_space<semaphore_mem>>
      %dma_wait3A_118 = arith.constant 0 : i32
      %dma_wait3A_119 = tpu.memref_slice %arg6[%dma_wait3A_109, %dma_wait3A_118] : memref<4x512xi32, #tpu.memory_space<vmem>> -> memref<1x512xi32, #tpu.memory_space<vmem>>
      %dma_wait3A_120 = tpu.memref_squeeze %dma_wait3A_119 : memref<1x512xi32, #tpu.memory_space<vmem>> -> memref<512xi32, #tpu.memory_space<vmem>>
      %dma_wait3A_121 = tpu.memref_slice %arg3[%add3A_108, %mul3A_2] : memref<200x16384xi32, #tpu.memory_space<hbm>> -> memref<1x512xi32, #tpu.memory_space<hbm>>
      %dma_wait3A_122 = tpu.memref_squeeze %dma_wait3A_121 : memref<1x512xi32, #tpu.memory_space<hbm>> -> memref<512xi32, #tpu.memory_space<hbm>>
      tpu.wait_dma2 semaphore(%dma_wait3A_117 : memref<!tpu.dma_semaphore, #tpu.memory_space<semaphore_mem>>) src(%dma_wait3A_122 : memref<512xi32, #tpu.memory_space<hbm>>) dst(%dma_wait3A_120 : memref<512xi32, #tpu.memory_space<vmem>>)
      %ge3A = arith.constant 2 : i32
      %ge3A_123 = arith.cmpi sge, %add3A_108, %ge3A : i32
      %convert_element_type3A = arith.extui %ge3A_123 : i1 to i32
      %cond3A = arith.constant 0 : i32
      %cond3A_124 = arith.cmpi ne, %convert_element_type3A, %cond3A : i32
      scf.if %cond3A_124 {
        %sub3A = arith.constant 2 : i32
        %sub3A_317 = arith.subi %add3A_108, %sub3A : i32
        %dma_wait3A_318 = arith.constant 0 : i32
        %dma_wait3A_319 = arith.constant 0 : i32
        %dma_wait3A_320 = arith.constant 0 : i32
        %dma_wait3A_321 = arith.constant 0 : i32
        %dma_wait3A_322 = tpu.memref_slice %arg7[%dma_wait3A_318, %dma_wait3A_320, %dma_wait3A_321] : memref<2x64x512xf32, #tpu.memory_space<vmem>> -> memref<1x64x512xf32, #tpu.memory_space<vmem>>
        %dma_wait3A_323 = tpu.memref_squeeze %dma_wait3A_322 : memref<1x64x512xf32, #tpu.memory_space<vmem>> -> memref<64x512xf32, #tpu.memory_space<vmem>>
        %dma_wait3A_324 = arith.constant 0 : i32
        %dma_wait3A_325 = tpu.memref_slice %arg4[%sub3A_317, %dma_wait3A_324, %mul3A_2] : memref<200x64x16384xf32, #tpu.memory_space<hbm>> -> memref<1x64x512xf32, #tpu.memory_space<hbm>>
        %dma_wait3A_326 = tpu.memref_squeeze %dma_wait3A_325 : memref<1x64x512xf32, #tpu.memory_space<hbm>> -> memref<64x512xf32, #tpu.memory_space<hbm>>
        %dma_wait3A_327 = tpu.memref_slice %arg9[%dma_wait3A_319] : memref<2x!tpu.dma_semaphore, #tpu.memory_space<semaphore_mem>> -> memref<1x!tpu.dma_semaphore, #tpu.memory_space<semaphore_mem>>
        %dma_wait3A_328 = tpu.memref_squeeze %dma_wait3A_327 : memref<1x!tpu.dma_semaphore, #tpu.memory_space<semaphore_mem>> -> memref<!tpu.dma_semaphore, #tpu.memory_space<semaphore_mem>>
        %dma_wait3A_329 = arith.constant 0 : i32
        %dma_wait3A_330 = tpu.memref_slice %arg4[%sub3A_317, %dma_wait3A_329, %mul3A_2] : memref<200x64x16384xf32, #tpu.memory_space<hbm>> -> memref<1x64x512xf32, #tpu.memory_space<hbm>>
        %dma_wait3A_331 = tpu.memref_squeeze %dma_wait3A_330 : memref<1x64x512xf32, #tpu.memory_space<hbm>> -> memref<64x512xf32, #tpu.memory_space<hbm>>
        %dma_wait3A_332 = arith.constant 0 : i32
        %dma_wait3A_333 = arith.constant 0 : i32
        %dma_wait3A_334 = tpu.memref_slice %arg7[%dma_wait3A_318, %dma_wait3A_332, %dma_wait3A_333] : memref<2x64x512xf32, #tpu.memory_space<vmem>> -> memref<1x64x512xf32, #tpu.memory_space<vmem>>
        %dma_wait3A_335 = tpu.memref_squeeze %dma_wait3A_334 : memref<1x64x512xf32, #tpu.memory_space<vmem>> -> memref<64x512xf32, #tpu.memory_space<vmem>>
        tpu.wait_dma2 semaphore(%dma_wait3A_328 : memref<!tpu.dma_semaphore, #tpu.memory_space<semaphore_mem>>) src(%dma_wait3A_335 : memref<64x512xf32, #tpu.memory_space<vmem>>) dst(%dma_wait3A_331 : memref<64x512xf32, #tpu.memory_space<hbm>>)
      } else {
      }
      %scan3A_125 = arith.constant 0 : i32
      %scan3A_126 = arith.constant 0 : i32
      %scan3A_127 = arith.constant 64 : i32
      %scan3A_128 = arith.addi %scan3A_126, %scan3A_127 : i32
      %scan3A_129 = arith.constant 1 : i32
      scf.for %scan3A_317 = %scan3A_126 to %scan3A_128 step %scan3A_129  : i32 {
        %mul3A_318 = arith.constant 16 : i32
        %mul3A_319 = arith.muli %scan3A_317, %mul3A_318 : i32
        %get3A = arith.index_cast %mul3A_319 : i32 to index
        %get3A_320 = tpu.vector_load %arg5[%get3A] {strides = array<i32>} : memref<1024xf32, #tpu.memory_space<vmem>>, vector<16xf32>,
        %parallel_loop3A = arith.constant 0 : i32
        %parallel_loop3A_321 = arith.constant 32 : i32
        %parallel_loop3A_322 = arith.constant 1 : i32
        scf.for %parallel_loop3A_323 = %parallel_loop3A to %parallel_loop3A_321 step %parallel_loop3A_322  : i32 {
          %parallel_loop3A_324 = arith.constant 16 : i32
          %parallel_loop3A_325 = arith.muli %parallel_loop3A_323, %parallel_loop3A_324 : i32
          %parallel_loop3A_326 = arith.constant 0 : i32
          %parallel_loop3A_327 = arith.index_cast %parallel_loop3A_326 : i32 to index
          %parallel_loop3A_328 = arith.index_cast %parallel_loop3A_325 : i32 to index
          %parallel_loop3A_329 = tpu.vector_load %arg6[%parallel_loop3A_327, %parallel_loop3A_328] {strides = array<i32>} : memref<4x512xi32, #tpu.memory_space<vmem>>, vector<16xi32>,
          %parallel_loop3A_330 = vector.shape_cast %parallel_loop3A_329 : vector<16xi32> to vector<16x1xi32>
          %parallel_loop3A_331 = vector.shape_cast %parallel_loop3A_330 : vector<16x1xi32> to vector<16xi32>
          %parallel_loop3A_332 = tpu.dynamic_gather %get3A_320[%parallel_loop3A_331] in [0] : vector<16xf32>, vector<16xi32> -> vector<16xf32>
          %parallel_loop3A_333 = arith.constant 16 : i32
          %parallel_loop3A_334 = arith.muli %parallel_loop3A_323, %parallel_loop3A_333 : i32
          %parallel_loop3A_335 = arith.constant 0 : i32
          %parallel_loop3A_336 = arith.index_cast %parallel_loop3A_335 : i32 to index
          %parallel_loop3A_337 = arith.index_cast %scan3A_317 : i32 to index
          %parallel_loop3A_338 = arith.index_cast %parallel_loop3A_334 : i32 to index
          %parallel_loop3A_339 = tpu.vector_load %arg7[%parallel_loop3A_336, %parallel_loop3A_337, %parallel_loop3A_338] {strides = array<i32>} : memref<2x64x512xf32, #tpu.memory_space<vmem>>, vector<16xf32>,
          tpu.vector_store %arg7[%parallel_loop3A_336, %parallel_loop3A_337, %parallel_loop3A_338], %parallel_loop3A_332 {strides = array<i32>} : memref<2x64x512xf32, #tpu.memory_space<vmem>>, vector<16xf32>,
        } {sc.loop_unroll_factor = 16 : i64, sc.parallel_access}
      }
      %scan3A_130 = arith.constant 64 : i32
      %dma_start3A_131 = arith.constant 0 : i32
      %dma_start3A_132 = arith.constant 0 : i32
      %dma_start3A_133 = arith.constant 0 : i32
      %dma_start3A_134 = arith.constant 0 : i32
      %dma_start3A_135 = tpu.memref_slice %arg7[%dma_start3A_131, %dma_start3A_133, %dma_start3A_134] : memref<2x64x512xf32, #tpu.memory_space<vmem>> -> memref<1x64x512xf32, #tpu.memory_space<vmem>>
      %dma_start3A_136 = tpu.memref_squeeze %dma_start3A_135 : memref<1x64x512xf32, #tpu.memory_space<vmem>> -> memref<64x512xf32, #tpu.memory_space<vmem>>
      %dma_start3A_137 = arith.constant 0 : i32
      %dma_start3A_138 = tpu.memref_slice %arg4[%add3A_108, %dma_start3A_137, %mul3A_2] : memref<200x64x16384xf32, #tpu.memory_space<hbm>> -> memref<1x64x512xf32, #tpu.memory_space<hbm>>
      %dma_start3A_139 = tpu.memref_squeeze %dma_start3A_138 : memref<1x64x512xf32, #tpu.memory_space<hbm>> -> memref<64x512xf32, #tpu.memory_space<hbm>>
      %dma_start3A_140 = tpu.memref_slice %arg9[%dma_start3A_132] : memref<2x!tpu.dma_semaphore, #tpu.memory_space<semaphore_mem>> -> memref<1x!tpu.dma_semaphore, #tpu.memory_space<semaphore_mem>>
      %dma_start3A_141 = tpu.memref_squeeze %dma_start3A_140 : memref<1x!tpu.dma_semaphore, #tpu.memory_space<semaphore_mem>> -> memref<!tpu.dma_semaphore, #tpu.memory_space<semaphore_mem>>
      %dma_start3A_142 = arith.constant 0 : i32
      %dma_start3A_143 = tpu.memref_slice %arg4[%add3A_108, %dma_start3A_142, %mul3A_2] : memref<200x64x16384xf32, #tpu.memory_space<hbm>> -> memref<1x64x512xf32, #tpu.memory_space<hbm>>
      %dma_start3A_144 = tpu.memref_squeeze %dma_start3A_143 : memref<1x64x512xf32, #tpu.memory_space<hbm>> -> memref<64x512xf32, #tpu.memory_space<hbm>>
      %dma_start3A_145 = arith.constant 0 : i32
      %dma_start3A_146 = arith.constant 0 : i32
      %dma_start3A_147 = tpu.memref_slice %arg7[%dma_start3A_131, %dma_start3A_145, %dma_start3A_146] : memref<2x64x512xf32, #tpu.memory_space<vmem>> -> memref<1x64x512xf32, #tpu.memory_space<vmem>>
      %dma_start3A_148 = tpu.memref_squeeze %dma_start3A_147 : memref<1x64x512xf32, #tpu.memory_space<vmem>> -> memref<64x512xf32, #tpu.memory_space<vmem>>
      tpu.enqueue_dma source(%dma_start3A_148 : memref<64x512xf32, #tpu.memory_space<vmem>>) target(%dma_start3A_144 : memref<64x512xf32, #tpu.memory_space<hbm>>) target_semaphore(%dma_start3A_141 : memref<!tpu.dma_semaphore, #tpu.memory_space<semaphore_mem>>)
      %add3A_149 = arith.constant 4 : i32
      %add3A_150 = arith.addi %add3A_108, %add3A_149 : i32
      %lt3A = arith.constant 200 : i32
      %lt3A_151 = arith.cmpi slt, %add3A_150, %lt3A : i32
      %convert_element_type3A_152 = arith.extui %lt3A_151 : i1 to i32
      %cond3A_153 = arith.constant 0 : i32
      %cond3A_154 = arith.cmpi ne, %convert_element_type3A_152, %cond3A_153 : i32
      scf.if %cond3A_154 {
        %add3A_317 = arith.constant 4 : i32
        %add3A_318 = arith.addi %add3A_108, %add3A_317 : i32
        %dma_start3A_319 = arith.constant 0 : i32
        %dma_start3A_320 = arith.constant 0 : i32
        %dma_start3A_321 = arith.constant 0 : i32
        %dma_start3A_322 = tpu.memref_slice %arg6[%dma_start3A_319, %dma_start3A_321] : memref<4x512xi32, #tpu.memory_space<vmem>> -> memref<1x512xi32, #tpu.memory_space<vmem>>
        %dma_start3A_323 = tpu.memref_squeeze %dma_start3A_322 : memref<1x512xi32, #tpu.memory_space<vmem>> -> memref<512xi32, #tpu.memory_space<vmem>>
        %dma_start3A_324 = tpu.memref_slice %arg3[%add3A_318, %mul3A_2] : memref<200x16384xi32, #tpu.memory_space<hbm>> -> memref<1x512xi32, #tpu.memory_space<hbm>>
        %dma_start3A_325 = tpu.memref_squeeze %dma_start3A_324 : memref<1x512xi32, #tpu.memory_space<hbm>> -> memref<512xi32, #tpu.memory_space<hbm>>
        %dma_start3A_326 = tpu.memref_slice %arg8[%dma_start3A_320] : memref<4x!tpu.dma_semaphore, #tpu.memory_space<semaphore_mem>> -> memref<1x!tpu.dma_semaphore, #tpu.memory_space<semaphore_mem>>
        %dma_start3A_327 = tpu.memref_squeeze %dma_start3A_326 : memref<1x!tpu.dma_semaphore, #tpu.memory_space<semaphore_mem>> -> memref<!tpu.dma_semaphore, #tpu.memory_space<semaphore_mem>>
        %dma_start3A_328 = arith.constant 0 : i32
        %dma_start3A_329 = tpu.memref_slice %arg6[%dma_start3A_319, %dma_start3A_328] : memref<4x512xi32, #tpu.memory_space<vmem>> -> memref<1x512xi32, #tpu.memory_space<vmem>>
        %dma_start3A_330 = tpu.memref_squeeze %dma_start3A_329 : memref<1x512xi32, #tpu.memory_space<vmem>> -> memref<512xi32, #tpu.memory_space<vmem>>
        %dma_start3A_331 = tpu.memref_slice %arg3[%add3A_318, %mul3A_2] : memref<200x16384xi32, #tpu.memory_space<hbm>> -> memref<1x512xi32, #tpu.memory_space<hbm>>
        %dma_start3A_332 = tpu.memref_squeeze %dma_start3A_331 : memref<1x512xi32, #tpu.memory_space<hbm>> -> memref<512xi32, #tpu.memory_space<hbm>>
        tpu.enqueue_dma source(%dma_start3A_332 : memref<512xi32, #tpu.memory_space<hbm>>) target(%dma_start3A_330 : memref<512xi32, #tpu.memory_space<vmem>>) target_semaphore(%dma_start3A_327 : memref<!tpu.dma_semaphore, #tpu.memory_space<semaphore_mem>>)
      } else {
      }
      %mul3A_155 = arith.constant 4 : i32
      %mul3A_156 = arith.muli %scan3A_104, %mul3A_155 : i32
      %add3A_157 = arith.constant 1 : i32
      %add3A_158 = arith.addi %mul3A_156, %add3A_157 : i32
      %dma_wait3A_159 = arith.constant 1 : i32
      %dma_wait3A_160 = arith.constant 1 : i32
      %dma_wait3A_161 = arith.constant 0 : i32
      %dma_wait3A_162 = tpu.memref_slice %arg6[%dma_wait3A_159, %dma_wait3A_161] : memref<4x512xi32, #tpu.memory_space<vmem>> -> memref<1x512xi32, #tpu.memory_space<vmem>>
      %dma_wait3A_163 = tpu.memref_squeeze %dma_wait3A_162 : memref<1x512xi32, #tpu.memory_space<vmem>> -> memref<512xi32, #tpu.memory_space<vmem>>
      %dma_wait3A_164 = tpu.memref_slice %arg3[%add3A_158, %mul3A_2] : memref<200x16384xi32, #tpu.memory_space<hbm>> -> memref<1x512xi32, #tpu.memory_space<hbm>>
      %dma_wait3A_165 = tpu.memref_squeeze %dma_wait3A_164 : memref<1x512xi32, #tpu.memory_space<hbm>> -> memref<512xi32, #tpu.memory_space<hbm>>
      %dma_wait3A_166 = tpu.memref_slice %arg8[%dma_wait3A_160] : memref<4x!tpu.dma_semaphore, #tpu.memory_space<semaphore_mem>> -> memref<1x!tpu.dma_semaphore, #tpu.memory_space<semaphore_mem>>
      %dma_wait3A_167 = tpu.memref_squeeze %dma_wait3A_166 : memref<1x!tpu.dma_semaphore, #tpu.memory_space<semaphore_mem>> -> memref<!tpu.dma_semaphore, #tpu.memory_space<semaphore_mem>>
      %dma_wait3A_168 = arith.constant 0 : i32
      %dma_wait3A_169 = tpu.memref_slice %arg6[%dma_wait3A_159, %dma_wait3A_168] : memref<4x512xi32, #tpu.memory_space<vmem>> -> memref<1x512xi32, #tpu.memory_space<vmem>>
      %dma_wait3A_170 = tpu.memref_squeeze %dma_wait3A_169 : memref<1x512xi32, #tpu.memory_space<vmem>> -> memref<512xi32, #tpu.memory_space<vmem>>
      %dma_wait3A_171 = tpu.memref_slice %arg3[%add3A_158, %mul3A_2] : memref<200x16384xi32, #tpu.memory_space<hbm>> -> memref<1x512xi32, #tpu.memory_space<hbm>>
      %dma_wait3A_172 = tpu.memref_squeeze %dma_wait3A_171 : memref<1x512xi32, #tpu.memory_space<hbm>> -> memref<512xi32, #tpu.memory_space<hbm>>
      tpu.wait_dma2 semaphore(%dma_wait3A_167 : memref<!tpu.dma_semaphore, #tpu.memory_space<semaphore_mem>>) src(%dma_wait3A_172 : memref<512xi32, #tpu.memory_space<hbm>>) dst(%dma_wait3A_170 : memref<512xi32, #tpu.memory_space<vmem>>)
      %ge3A_173 = arith.constant 2 : i32
      %ge3A_174 = arith.cmpi sge, %add3A_158, %ge3A_173 : i32
      %convert_element_type3A_175 = arith.extui %ge3A_174 : i1 to i32
      %cond3A_176 = arith.constant 0 : i32
      %cond3A_177 = arith.cmpi ne, %convert_element_type3A_175, %cond3A_176 : i32
      scf.if %cond3A_177 {
        %sub3A = arith.constant 2 : i32
        %sub3A_317 = arith.subi %add3A_158, %sub3A : i32
        %dma_wait3A_318 = arith.constant 1 : i32
        %dma_wait3A_319 = arith.constant 1 : i32
        %dma_wait3A_320 = arith.constant 0 : i32
        %dma_wait3A_321 = arith.constant 0 : i32
        %dma_wait3A_322 = tpu.memref_slice %arg7[%dma_wait3A_318, %dma_wait3A_320, %dma_wait3A_321] : memref<2x64x512xf32, #tpu.memory_space<vmem>> -> memref<1x64x512xf32, #tpu.memory_space<vmem>>
        %dma_wait3A_323 = tpu.memref_squeeze %dma_wait3A_322 : memref<1x64x512xf32, #tpu.memory_space<vmem>> -> memref<64x512xf32, #tpu.memory_space<vmem>>
        %dma_wait3A_324 = arith.constant 0 : i32
        %dma_wait3A_325 = tpu.memref_slice %arg4[%sub3A_317, %dma_wait3A_324, %mul3A_2] : memref<200x64x16384xf32, #tpu.memory_space<hbm>> -> memref<1x64x512xf32, #tpu.memory_space<hbm>>
        %dma_wait3A_326 = tpu.memref_squeeze %dma_wait3A_325 : memref<1x64x512xf32, #tpu.memory_space<hbm>> -> memref<64x512xf32, #tpu.memory_space<hbm>>
        %dma_wait3A_327 = tpu.memref_slice %arg9[%dma_wait3A_319] : memref<2x!tpu.dma_semaphore, #tpu.memory_space<semaphore_mem>> -> memref<1x!tpu.dma_semaphore, #tpu.memory_space<semaphore_mem>>
        %dma_wait3A_328 = tpu.memref_squeeze %dma_wait3A_327 : memref<1x!tpu.dma_semaphore, #tpu.memory_space<semaphore_mem>> -> memref<!tpu.dma_semaphore, #tpu.memory_space<semaphore_mem>>
        %dma_wait3A_329 = arith.constant 0 : i32
        %dma_wait3A_330 = tpu.memref_slice %arg4[%sub3A_317, %dma_wait3A_329, %mul3A_2] : memref<200x64x16384xf32, #tpu.memory_space<hbm>> -> memref<1x64x512xf32, #tpu.memory_space<hbm>>
        %dma_wait3A_331 = tpu.memref_squeeze %dma_wait3A_330 : memref<1x64x512xf32, #tpu.memory_space<hbm>> -> memref<64x512xf32, #tpu.memory_space<hbm>>
        %dma_wait3A_332 = arith.constant 0 : i32
        %dma_wait3A_333 = arith.constant 0 : i32
        %dma_wait3A_334 = tpu.memref_slice %arg7[%dma_wait3A_318, %dma_wait3A_332, %dma_wait3A_333] : memref<2x64x512xf32, #tpu.memory_space<vmem>> -> memref<1x64x512xf32, #tpu.memory_space<vmem>>
        %dma_wait3A_335 = tpu.memref_squeeze %dma_wait3A_334 : memref<1x64x512xf32, #tpu.memory_space<vmem>> -> memref<64x512xf32, #tpu.memory_space<vmem>>
        tpu.wait_dma2 semaphore(%dma_wait3A_328 : memref<!tpu.dma_semaphore, #tpu.memory_space<semaphore_mem>>) src(%dma_wait3A_335 : memref<64x512xf32, #tpu.memory_space<vmem>>) dst(%dma_wait3A_331 : memref<64x512xf32, #tpu.memory_space<hbm>>)
      } else {
      }
      %scan3A_178 = arith.constant 0 : i32
      %scan3A_179 = arith.constant 0 : i32
      %scan3A_180 = arith.constant 64 : i32
      %scan3A_181 = arith.addi %scan3A_179, %scan3A_180 : i32
      %scan3A_182 = arith.constant 1 : i32
      scf.for %scan3A_317 = %scan3A_179 to %scan3A_181 step %scan3A_182  : i32 {
        %mul3A_318 = arith.constant 16 : i32
        %mul3A_319 = arith.muli %scan3A_317, %mul3A_318 : i32
        %get3A = arith.index_cast %mul3A_319 : i32 to index
        %get3A_320 = tpu.vector_load %arg5[%get3A] {strides = array<i32>} : memref<1024xf32, #tpu.memory_space<vmem>>, vector<16xf32>,
        %parallel_loop3A = arith.constant 0 : i32
        %parallel_loop3A_321 = arith.constant 32 : i32
        %parallel_loop3A_322 = arith.constant 1 : i32
        scf.for %parallel_loop3A_323 = %parallel_loop3A to %parallel_loop3A_321 step %parallel_loop3A_322  : i32 {
          %parallel_loop3A_324 = arith.constant 16 : i32
          %parallel_loop3A_325 = arith.muli %parallel_loop3A_323, %parallel_loop3A_324 : i32
          %parallel_loop3A_326 = arith.constant 1 : i32
          %parallel_loop3A_327 = arith.index_cast %parallel_loop3A_326 : i32 to index
          %parallel_loop3A_328 = arith.index_cast %parallel_loop3A_325 : i32 to index
          %parallel_loop3A_329 = tpu.vector_load %arg6[%parallel_loop3A_327, %parallel_loop3A_328] {strides = array<i32>} : memref<4x512xi32, #tpu.memory_space<vmem>>, vector<16xi32>,
          %parallel_loop3A_330 = vector.shape_cast %parallel_loop3A_329 : vector<16xi32> to vector<16x1xi32>
          %parallel_loop3A_331 = vector.shape_cast %parallel_loop3A_330 : vector<16x1xi32> to vector<16xi32>
          %parallel_loop3A_332 = tpu.dynamic_gather %get3A_320[%parallel_loop3A_331] in [0] : vector<16xf32>, vector<16xi32> -> vector<16xf32>
          %parallel_loop3A_333 = arith.constant 16 : i32
          %parallel_loop3A_334 = arith.muli %parallel_loop3A_323, %parallel_loop3A_333 : i32
          %parallel_loop3A_335 = arith.constant 1 : i32
          %parallel_loop3A_336 = arith.index_cast %parallel_loop3A_335 : i32 to index
          %parallel_loop3A_337 = arith.index_cast %scan3A_317 : i32 to index
          %parallel_loop3A_338 = arith.index_cast %parallel_loop3A_334 : i32 to index
          %parallel_loop3A_339 = tpu.vector_load %arg7[%parallel_loop3A_336, %parallel_loop3A_337, %parallel_loop3A_338] {strides = array<i32>} : memref<2x64x512xf32, #tpu.memory_space<vmem>>, vector<16xf32>,
          tpu.vector_store %arg7[%parallel_loop3A_336, %parallel_loop3A_337, %parallel_loop3A_338], %parallel_loop3A_332 {strides = array<i32>} : memref<2x64x512xf32, #tpu.memory_space<vmem>>, vector<16xf32>,
        } {sc.loop_unroll_factor = 16 : i64, sc.parallel_access}
      }
      %scan3A_183 = arith.constant 64 : i32
      %dma_start3A_184 = arith.constant 1 : i32
      %dma_start3A_185 = arith.constant 1 : i32
      %dma_start3A_186 = arith.constant 0 : i32
      %dma_start3A_187 = arith.constant 0 : i32
      %dma_start3A_188 = tpu.memref_slice %arg7[%dma_start3A_184, %dma_start3A_186, %dma_start3A_187] : memref<2x64x512xf32, #tpu.memory_space<vmem>> -> memref<1x64x512xf32, #tpu.memory_space<vmem>>
      %dma_start3A_189 = tpu.memref_squeeze %dma_start3A_188 : memref<1x64x512xf32, #tpu.memory_space<vmem>> -> memref<64x512xf32, #tpu.memory_space<vmem>>
      %dma_start3A_190 = arith.constant 0 : i32
      %dma_start3A_191 = tpu.memref_slice %arg4[%add3A_158, %dma_start3A_190, %mul3A_2] : memref<200x64x16384xf32, #tpu.memory_space<hbm>> -> memref<1x64x512xf32, #tpu.memory_space<hbm>>
      %dma_start3A_192 = tpu.memref_squeeze %dma_start3A_191 : memref<1x64x512xf32, #tpu.memory_space<hbm>> -> memref<64x512xf32, #tpu.memory_space<hbm>>
      %dma_start3A_193 = tpu.memref_slice %arg9[%dma_start3A_185] : memref<2x!tpu.dma_semaphore, #tpu.memory_space<semaphore_mem>> -> memref<1x!tpu.dma_semaphore, #tpu.memory_space<semaphore_mem>>
      %dma_start3A_194 = tpu.memref_squeeze %dma_start3A_193 : memref<1x!tpu.dma_semaphore, #tpu.memory_space<semaphore_mem>> -> memref<!tpu.dma_semaphore, #tpu.memory_space<semaphore_mem>>
      %dma_start3A_195 = arith.constant 0 : i32
      %dma_start3A_196 = tpu.memref_slice %arg4[%add3A_158, %dma_start3A_195, %mul3A_2] : memref<200x64x16384xf32, #tpu.memory_space<hbm>> -> memref<1x64x512xf32, #tpu.memory_space<hbm>>
      %dma_start3A_197 = tpu.memref_squeeze %dma_start3A_196 : memref<1x64x512xf32, #tpu.memory_space<hbm>> -> memref<64x512xf32, #tpu.memory_space<hbm>>
      %dma_start3A_198 = arith.constant 0 : i32
      %dma_start3A_199 = arith.constant 0 : i32
      %dma_start3A_200 = tpu.memref_slice %arg7[%dma_start3A_184, %dma_start3A_198, %dma_start3A_199] : memref<2x64x512xf32, #tpu.memory_space<vmem>> -> memref<1x64x512xf32, #tpu.memory_space<vmem>>
      %dma_start3A_201 = tpu.memref_squeeze %dma_start3A_200 : memref<1x64x512xf32, #tpu.memory_space<vmem>> -> memref<64x512xf32, #tpu.memory_space<vmem>>
      tpu.enqueue_dma source(%dma_start3A_201 : memref<64x512xf32, #tpu.memory_space<vmem>>) target(%dma_start3A_197 : memref<64x512xf32, #tpu.memory_space<hbm>>) target_semaphore(%dma_start3A_194 : memref<!tpu.dma_semaphore, #tpu.memory_space<semaphore_mem>>)
      %add3A_202 = arith.constant 4 : i32
      %add3A_203 = arith.addi %add3A_158, %add3A_202 : i32
      %lt3A_204 = arith.constant 200 : i32
      %lt3A_205 = arith.cmpi slt, %add3A_203, %lt3A_204 : i32
      %convert_element_type3A_206 = arith.extui %lt3A_205 : i1 to i32
      %cond3A_207 = arith.constant 0 : i32
      %cond3A_208 = arith.cmpi ne, %convert_element_type3A_206, %cond3A_207 : i32
      scf.if %cond3A_208 {
        %add3A_317 = arith.constant 4 : i32
        %add3A_318 = arith.addi %add3A_158, %add3A_317 : i32
        %dma_start3A_319 = arith.constant 1 : i32
        %dma_start3A_320 = arith.constant 1 : i32
        %dma_start3A_321 = arith.constant 0 : i32
        %dma_start3A_322 = tpu.memref_slice %arg6[%dma_start3A_319, %dma_start3A_321] : memref<4x512xi32, #tpu.memory_space<vmem>> -> memref<1x512xi32, #tpu.memory_space<vmem>>
        %dma_start3A_323 = tpu.memref_squeeze %dma_start3A_322 : memref<1x512xi32, #tpu.memory_space<vmem>> -> memref<512xi32, #tpu.memory_space<vmem>>
        %dma_start3A_324 = tpu.memref_slice %arg3[%add3A_318, %mul3A_2] : memref<200x16384xi32, #tpu.memory_space<hbm>> -> memref<1x512xi32, #tpu.memory_space<hbm>>
        %dma_start3A_325 = tpu.memref_squeeze %dma_start3A_324 : memref<1x512xi32, #tpu.memory_space<hbm>> -> memref<512xi32, #tpu.memory_space<hbm>>
        %dma_start3A_326 = tpu.memref_slice %arg8[%dma_start3A_320] : memref<4x!tpu.dma_semaphore, #tpu.memory_space<semaphore_mem>> -> memref<1x!tpu.dma_semaphore, #tpu.memory_space<semaphore_mem>>
        %dma_start3A_327 = tpu.memref_squeeze %dma_start3A_326 : memref<1x!tpu.dma_semaphore, #tpu.memory_space<semaphore_mem>> -> memref<!tpu.dma_semaphore, #tpu.memory_space<semaphore_mem>>
        %dma_start3A_328 = arith.constant 0 : i32
        %dma_start3A_329 = tpu.memref_slice %arg6[%dma_start3A_319, %dma_start3A_328] : memref<4x512xi32, #tpu.memory_space<vmem>> -> memref<1x512xi32, #tpu.memory_space<vmem>>
        %dma_start3A_330 = tpu.memref_squeeze %dma_start3A_329 : memref<1x512xi32, #tpu.memory_space<vmem>> -> memref<512xi32, #tpu.memory_space<vmem>>
        %dma_start3A_331 = tpu.memref_slice %arg3[%add3A_318, %mul3A_2] : memref<200x16384xi32, #tpu.memory_space<hbm>> -> memref<1x512xi32, #tpu.memory_space<hbm>>
        %dma_start3A_332 = tpu.memref_squeeze %dma_start3A_331 : memref<1x512xi32, #tpu.memory_space<hbm>> -> memref<512xi32, #tpu.memory_space<hbm>>
        tpu.enqueue_dma source(%dma_start3A_332 : memref<512xi32, #tpu.memory_space<hbm>>) target(%dma_start3A_330 : memref<512xi32, #tpu.memory_space<vmem>>) target_semaphore(%dma_start3A_327 : memref<!tpu.dma_semaphore, #tpu.memory_space<semaphore_mem>>)
      } else {
      }
      %mul3A_209 = arith.constant 4 : i32
      %mul3A_210 = arith.muli %scan3A_104, %mul3A_209 : i32
      %add3A_211 = arith.constant 2 : i32
      %add3A_212 = arith.addi %mul3A_210, %add3A_211 : i32
      %dma_wait3A_213 = arith.constant 2 : i32
      %dma_wait3A_214 = arith.constant 2 : i32
      %dma_wait3A_215 = arith.constant 0 : i32
      %dma_wait3A_216 = tpu.memref_slice %arg6[%dma_wait3A_213, %dma_wait3A_215] : memref<4x512xi32, #tpu.memory_space<vmem>> -> memref<1x512xi32, #tpu.memory_space<vmem>>
      %dma_wait3A_217 = tpu.memref_squeeze %dma_wait3A_216 : memref<1x512xi32, #tpu.memory_space<vmem>> -> memref<512xi32, #tpu.memory_space<vmem>>
      %dma_wait3A_218 = tpu.memref_slice %arg3[%add3A_212, %mul3A_2] : memref<200x16384xi32, #tpu.memory_space<hbm>> -> memref<1x512xi32, #tpu.memory_space<hbm>>
      %dma_wait3A_219 = tpu.memref_squeeze %dma_wait3A_218 : memref<1x512xi32, #tpu.memory_space<hbm>> -> memref<512xi32, #tpu.memory_space<hbm>>
      %dma_wait3A_220 = tpu.memref_slice %arg8[%dma_wait3A_214] : memref<4x!tpu.dma_semaphore, #tpu.memory_space<semaphore_mem>> -> memref<1x!tpu.dma_semaphore, #tpu.memory_space<semaphore_mem>>
      %dma_wait3A_221 = tpu.memref_squeeze %dma_wait3A_220 : memref<1x!tpu.dma_semaphore, #tpu.memory_space<semaphore_mem>> -> memref<!tpu.dma_semaphore, #tpu.memory_space<semaphore_mem>>
      %dma_wait3A_222 = arith.constant 0 : i32
      %dma_wait3A_223 = tpu.memref_slice %arg6[%dma_wait3A_213, %dma_wait3A_222] : memref<4x512xi32, #tpu.memory_space<vmem>> -> memref<1x512xi32, #tpu.memory_space<vmem>>
      %dma_wait3A_224 = tpu.memref_squeeze %dma_wait3A_223 : memref<1x512xi32, #tpu.memory_space<vmem>> -> memref<512xi32, #tpu.memory_space<vmem>>
      %dma_wait3A_225 = tpu.memref_slice %arg3[%add3A_212, %mul3A_2] : memref<200x16384xi32, #tpu.memory_space<hbm>> -> memref<1x512xi32, #tpu.memory_space<hbm>>
      %dma_wait3A_226 = tpu.memref_squeeze %dma_wait3A_225 : memref<1x512xi32, #tpu.memory_space<hbm>> -> memref<512xi32, #tpu.memory_space<hbm>>
      tpu.wait_dma2 semaphore(%dma_wait3A_221 : memref<!tpu.dma_semaphore, #tpu.memory_space<semaphore_mem>>) src(%dma_wait3A_226 : memref<512xi32, #tpu.memory_space<hbm>>) dst(%dma_wait3A_224 : memref<512xi32, #tpu.memory_space<vmem>>)
      %ge3A_227 = arith.constant 2 : i32
      %ge3A_228 = arith.cmpi sge, %add3A_212, %ge3A_227 : i32
      %convert_element_type3A_229 = arith.extui %ge3A_228 : i1 to i32
      %cond3A_230 = arith.constant 0 : i32
      %cond3A_231 = arith.cmpi ne, %convert_element_type3A_229, %cond3A_230 : i32
      scf.if %cond3A_231 {
        %sub3A = arith.constant 2 : i32
        %sub3A_317 = arith.subi %add3A_212, %sub3A : i32
        %dma_wait3A_318 = arith.constant 0 : i32
        %dma_wait3A_319 = arith.constant 0 : i32
        %dma_wait3A_320 = arith.constant 0 : i32
        %dma_wait3A_321 = arith.constant 0 : i32
        %dma_wait3A_322 = tpu.memref_slice %arg7[%dma_wait3A_318, %dma_wait3A_320, %dma_wait3A_321] : memref<2x64x512xf32, #tpu.memory_space<vmem>> -> memref<1x64x512xf32, #tpu.memory_space<vmem>>
        %dma_wait3A_323 = tpu.memref_squeeze %dma_wait3A_322 : memref<1x64x512xf32, #tpu.memory_space<vmem>> -> memref<64x512xf32, #tpu.memory_space<vmem>>
        %dma_wait3A_324 = arith.constant 0 : i32
        %dma_wait3A_325 = tpu.memref_slice %arg4[%sub3A_317, %dma_wait3A_324, %mul3A_2] : memref<200x64x16384xf32, #tpu.memory_space<hbm>> -> memref<1x64x512xf32, #tpu.memory_space<hbm>>
        %dma_wait3A_326 = tpu.memref_squeeze %dma_wait3A_325 : memref<1x64x512xf32, #tpu.memory_space<hbm>> -> memref<64x512xf32, #tpu.memory_space<hbm>>
        %dma_wait3A_327 = tpu.memref_slice %arg9[%dma_wait3A_319] : memref<2x!tpu.dma_semaphore, #tpu.memory_space<semaphore_mem>> -> memref<1x!tpu.dma_semaphore, #tpu.memory_space<semaphore_mem>>
        %dma_wait3A_328 = tpu.memref_squeeze %dma_wait3A_327 : memref<1x!tpu.dma_semaphore, #tpu.memory_space<semaphore_mem>> -> memref<!tpu.dma_semaphore, #tpu.memory_space<semaphore_mem>>
        %dma_wait3A_329 = arith.constant 0 : i32
        %dma_wait3A_330 = tpu.memref_slice %arg4[%sub3A_317, %dma_wait3A_329, %mul3A_2] : memref<200x64x16384xf32, #tpu.memory_space<hbm>> -> memref<1x64x512xf32, #tpu.memory_space<hbm>>
        %dma_wait3A_331 = tpu.memref_squeeze %dma_wait3A_330 : memref<1x64x512xf32, #tpu.memory_space<hbm>> -> memref<64x512xf32, #tpu.memory_space<hbm>>
        %dma_wait3A_332 = arith.constant 0 : i32
        %dma_wait3A_333 = arith.constant 0 : i32
        %dma_wait3A_334 = tpu.memref_slice %arg7[%dma_wait3A_318, %dma_wait3A_332, %dma_wait3A_333] : memref<2x64x512xf32, #tpu.memory_space<vmem>> -> memref<1x64x512xf32, #tpu.memory_space<vmem>>
        %dma_wait3A_335 = tpu.memref_squeeze %dma_wait3A_334 : memref<1x64x512xf32, #tpu.memory_space<vmem>> -> memref<64x512xf32, #tpu.memory_space<vmem>>
        tpu.wait_dma2 semaphore(%dma_wait3A_328 : memref<!tpu.dma_semaphore, #tpu.memory_space<semaphore_mem>>) src(%dma_wait3A_335 : memref<64x512xf32, #tpu.memory_space<vmem>>) dst(%dma_wait3A_331 : memref<64x512xf32, #tpu.memory_space<hbm>>)
      } else {
      }
      %scan3A_232 = arith.constant 0 : i32
      %scan3A_233 = arith.constant 0 : i32
      %scan3A_234 = arith.constant 64 : i32
      %scan3A_235 = arith.addi %scan3A_233, %scan3A_234 : i32
      %scan3A_236 = arith.constant 1 : i32
      scf.for %scan3A_317 = %scan3A_233 to %scan3A_235 step %scan3A_236  : i32 {
        %mul3A_318 = arith.constant 16 : i32
        %mul3A_319 = arith.muli %scan3A_317, %mul3A_318 : i32
        %get3A = arith.index_cast %mul3A_319 : i32 to index
        %get3A_320 = tpu.vector_load %arg5[%get3A] {strides = array<i32>} : memref<1024xf32, #tpu.memory_space<vmem>>, vector<16xf32>,
        %parallel_loop3A = arith.constant 0 : i32
        %parallel_loop3A_321 = arith.constant 32 : i32
        %parallel_loop3A_322 = arith.constant 1 : i32
        scf.for %parallel_loop3A_323 = %parallel_loop3A to %parallel_loop3A_321 step %parallel_loop3A_322  : i32 {
          %parallel_loop3A_324 = arith.constant 16 : i32
          %parallel_loop3A_325 = arith.muli %parallel_loop3A_323, %parallel_loop3A_324 : i32
          %parallel_loop3A_326 = arith.constant 2 : i32
          %parallel_loop3A_327 = arith.index_cast %parallel_loop3A_326 : i32 to index
          %parallel_loop3A_328 = arith.index_cast %parallel_loop3A_325 : i32 to index
          %parallel_loop3A_329 = tpu.vector_load %arg6[%parallel_loop3A_327, %parallel_loop3A_328] {strides = array<i32>} : memref<4x512xi32, #tpu.memory_space<vmem>>, vector<16xi32>,
          %parallel_loop3A_330 = vector.shape_cast %parallel_loop3A_329 : vector<16xi32> to vector<16x1xi32>
          %parallel_loop3A_331 = vector.shape_cast %parallel_loop3A_330 : vector<16x1xi32> to vector<16xi32>
          %parallel_loop3A_332 = tpu.dynamic_gather %get3A_320[%parallel_loop3A_331] in [0] : vector<16xf32>, vector<16xi32> -> vector<16xf32>
          %parallel_loop3A_333 = arith.constant 16 : i32
          %parallel_loop3A_334 = arith.muli %parallel_loop3A_323, %parallel_loop3A_333 : i32
          %parallel_loop3A_335 = arith.constant 0 : i32
          %parallel_loop3A_336 = arith.index_cast %parallel_loop3A_335 : i32 to index
          %parallel_loop3A_337 = arith.index_cast %scan3A_317 : i32 to index
          %parallel_loop3A_338 = arith.index_cast %parallel_loop3A_334 : i32 to index
          %parallel_loop3A_339 = tpu.vector_load %arg7[%parallel_loop3A_336, %parallel_loop3A_337, %parallel_loop3A_338] {strides = array<i32>} : memref<2x64x512xf32, #tpu.memory_space<vmem>>, vector<16xf32>,
          tpu.vector_store %arg7[%parallel_loop3A_336, %parallel_loop3A_337, %parallel_loop3A_338], %parallel_loop3A_332 {strides = array<i32>} : memref<2x64x512xf32, #tpu.memory_space<vmem>>, vector<16xf32>,
        } {sc.loop_unroll_factor = 16 : i64, sc.parallel_access}
      }
      %scan3A_237 = arith.constant 64 : i32
      %dma_start3A_238 = arith.constant 0 : i32
      %dma_start3A_239 = arith.constant 0 : i32
      %dma_start3A_240 = arith.constant 0 : i32
      %dma_start3A_241 = arith.constant 0 : i32
      %dma_start3A_242 = tpu.memref_slice %arg7[%dma_start3A_238, %dma_start3A_240, %dma_start3A_241] : memref<2x64x512xf32, #tpu.memory_space<vmem>> -> memref<1x64x512xf32, #tpu.memory_space<vmem>>
      %dma_start3A_243 = tpu.memref_squeeze %dma_start3A_242 : memref<1x64x512xf32, #tpu.memory_space<vmem>> -> memref<64x512xf32, #tpu.memory_space<vmem>>
      %dma_start3A_244 = arith.constant 0 : i32
      %dma_start3A_245 = tpu.memref_slice %arg4[%add3A_212, %dma_start3A_244, %mul3A_2] : memref<200x64x16384xf32, #tpu.memory_space<hbm>> -> memref<1x64x512xf32, #tpu.memory_space<hbm>>
      %dma_start3A_246 = tpu.memref_squeeze %dma_start3A_245 : memref<1x64x512xf32, #tpu.memory_space<hbm>> -> memref<64x512xf32, #tpu.memory_space<hbm>>
      %dma_start3A_247 = tpu.memref_slice %arg9[%dma_start3A_239] : memref<2x!tpu.dma_semaphore, #tpu.memory_space<semaphore_mem>> -> memref<1x!tpu.dma_semaphore, #tpu.memory_space<semaphore_mem>>
      %dma_start3A_248 = tpu.memref_squeeze %dma_start3A_247 : memref<1x!tpu.dma_semaphore, #tpu.memory_space<semaphore_mem>> -> memref<!tpu.dma_semaphore, #tpu.memory_space<semaphore_mem>>
      %dma_start3A_249 = arith.constant 0 : i32
      %dma_start3A_250 = tpu.memref_slice %arg4[%add3A_212, %dma_start3A_249, %mul3A_2] : memref<200x64x16384xf32, #tpu.memory_space<hbm>> -> memref<1x64x512xf32, #tpu.memory_space<hbm>>
      %dma_start3A_251 = tpu.memref_squeeze %dma_start3A_250 : memref<1x64x512xf32, #tpu.memory_space<hbm>> -> memref<64x512xf32, #tpu.memory_space<hbm>>
      %dma_start3A_252 = arith.constant 0 : i32
      %dma_start3A_253 = arith.constant 0 : i32
      %dma_start3A_254 = tpu.memref_slice %arg7[%dma_start3A_238, %dma_start3A_252, %dma_start3A_253] : memref<2x64x512xf32, #tpu.memory_space<vmem>> -> memref<1x64x512xf32, #tpu.memory_space<vmem>>
      %dma_start3A_255 = tpu.memref_squeeze %dma_start3A_254 : memref<1x64x512xf32, #tpu.memory_space<vmem>> -> memref<64x512xf32, #tpu.memory_space<vmem>>
      tpu.enqueue_dma source(%dma_start3A_255 : memref<64x512xf32, #tpu.memory_space<vmem>>) target(%dma_start3A_251 : memref<64x512xf32, #tpu.memory_space<hbm>>) target_semaphore(%dma_start3A_248 : memref<!tpu.dma_semaphore, #tpu.memory_space<semaphore_mem>>)
      %add3A_256 = arith.constant 4 : i32
      %add3A_257 = arith.addi %add3A_212, %add3A_256 : i32
      %lt3A_258 = arith.constant 200 : i32
      %lt3A_259 = arith.cmpi slt, %add3A_257, %lt3A_258 : i32
      %convert_element_type3A_260 = arith.extui %lt3A_259 : i1 to i32
      %cond3A_261 = arith.constant 0 : i32
      %cond3A_262 = arith.cmpi ne, %convert_element_type3A_260, %cond3A_261 : i32
      scf.if %cond3A_262 {
        %add3A_317 = arith.constant 4 : i32
        %add3A_318 = arith.addi %add3A_212, %add3A_317 : i32
        %dma_start3A_319 = arith.constant 2 : i32
        %dma_start3A_320 = arith.constant 2 : i32
        %dma_start3A_321 = arith.constant 0 : i32
        %dma_start3A_322 = tpu.memref_slice %arg6[%dma_start3A_319, %dma_start3A_321] : memref<4x512xi32, #tpu.memory_space<vmem>> -> memref<1x512xi32, #tpu.memory_space<vmem>>
        %dma_start3A_323 = tpu.memref_squeeze %dma_start3A_322 : memref<1x512xi32, #tpu.memory_space<vmem>> -> memref<512xi32, #tpu.memory_space<vmem>>
        %dma_start3A_324 = tpu.memref_slice %arg3[%add3A_318, %mul3A_2] : memref<200x16384xi32, #tpu.memory_space<hbm>> -> memref<1x512xi32, #tpu.memory_space<hbm>>
        %dma_start3A_325 = tpu.memref_squeeze %dma_start3A_324 : memref<1x512xi32, #tpu.memory_space<hbm>> -> memref<512xi32, #tpu.memory_space<hbm>>
        %dma_start3A_326 = tpu.memref_slice %arg8[%dma_start3A_320] : memref<4x!tpu.dma_semaphore, #tpu.memory_space<semaphore_mem>> -> memref<1x!tpu.dma_semaphore, #tpu.memory_space<semaphore_mem>>
        %dma_start3A_327 = tpu.memref_squeeze %dma_start3A_326 : memref<1x!tpu.dma_semaphore, #tpu.memory_space<semaphore_mem>> -> memref<!tpu.dma_semaphore, #tpu.memory_space<semaphore_mem>>
        %dma_start3A_328 = arith.constant 0 : i32
        %dma_start3A_329 = tpu.memref_slice %arg6[%dma_start3A_319, %dma_start3A_328] : memref<4x512xi32, #tpu.memory_space<vmem>> -> memref<1x512xi32, #tpu.memory_space<vmem>>
        %dma_start3A_330 = tpu.memref_squeeze %dma_start3A_329 : memref<1x512xi32, #tpu.memory_space<vmem>> -> memref<512xi32, #tpu.memory_space<vmem>>
        %dma_start3A_331 = tpu.memref_slice %arg3[%add3A_318, %mul3A_2] : memref<200x16384xi32, #tpu.memory_space<hbm>> -> memref<1x512xi32, #tpu.memory_space<hbm>>
        %dma_start3A_332 = tpu.memref_squeeze %dma_start3A_331 : memref<1x512xi32, #tpu.memory_space<hbm>> -> memref<512xi32, #tpu.memory_space<hbm>>
        tpu.enqueue_dma source(%dma_start3A_332 : memref<512xi32, #tpu.memory_space<hbm>>) target(%dma_start3A_330 : memref<512xi32, #tpu.memory_space<vmem>>) target_semaphore(%dma_start3A_327 : memref<!tpu.dma_semaphore, #tpu.memory_space<semaphore_mem>>)
      } else {
      }
      %mul3A_263 = arith.constant 4 : i32
      %mul3A_264 = arith.muli %scan3A_104, %mul3A_263 : i32
      %add3A_265 = arith.constant 3 : i32
      %add3A_266 = arith.addi %mul3A_264, %add3A_265 : i32
      %dma_wait3A_267 = arith.constant 3 : i32
      %dma_wait3A_268 = arith.constant 3 : i32
      %dma_wait3A_269 = arith.constant 0 : i32
      %dma_wait3A_270 = tpu.memref_slice %arg6[%dma_wait3A_267, %dma_wait3A_269] : memref<4x512xi32, #tpu.memory_space<vmem>> -> memref<1x512xi32, #tpu.memory_space<vmem>>
      %dma_wait3A_271 = tpu.memref_squeeze %dma_wait3A_270 : memref<1x512xi32, #tpu.memory_space<vmem>> -> memref<512xi32, #tpu.memory_space<vmem>>
      %dma_wait3A_272 = tpu.memref_slice %arg3[%add3A_266, %mul3A_2] : memref<200x16384xi32, #tpu.memory_space<hbm>> -> memref<1x512xi32, #tpu.memory_space<hbm>>
      %dma_wait3A_273 = tpu.memref_squeeze %dma_wait3A_272 : memref<1x512xi32, #tpu.memory_space<hbm>> -> memref<512xi32, #tpu.memory_space<hbm>>
      %dma_wait3A_274 = tpu.memref_slice %arg8[%dma_wait3A_268] : memref<4x!tpu.dma_semaphore, #tpu.memory_space<semaphore_mem>> -> memref<1x!tpu.dma_semaphore, #tpu.memory_space<semaphore_mem>>
      %dma_wait3A_275 = tpu.memref_squeeze %dma_wait3A_274 : memref<1x!tpu.dma_semaphore, #tpu.memory_space<semaphore_mem>> -> memref<!tpu.dma_semaphore, #tpu.memory_space<semaphore_mem>>
      %dma_wait3A_276 = arith.constant 0 : i32
      %dma_wait3A_277 = tpu.memref_slice %arg6[%dma_wait3A_267, %dma_wait3A_276] : memref<4x512xi32, #tpu.memory_space<vmem>> -> memref<1x512xi32, #tpu.memory_space<vmem>>
      %dma_wait3A_278 = tpu.memref_squeeze %dma_wait3A_277 : memref<1x512xi32, #tpu.memory_space<vmem>> -> memref<512xi32, #tpu.memory_space<vmem>>
      %dma_wait3A_279 = tpu.memref_slice %arg3[%add3A_266, %mul3A_2] : memref<200x16384xi32, #tpu.memory_space<hbm>> -> memref<1x512xi32, #tpu.memory_space<hbm>>
      %dma_wait3A_280 = tpu.memref_squeeze %dma_wait3A_279 : memref<1x512xi32, #tpu.memory_space<hbm>> -> memref<512xi32, #tpu.memory_space<hbm>>
      tpu.wait_dma2 semaphore(%dma_wait3A_275 : memref<!tpu.dma_semaphore, #tpu.memory_space<semaphore_mem>>) src(%dma_wait3A_280 : memref<512xi32, #tpu.memory_space<hbm>>) dst(%dma_wait3A_278 : memref<512xi32, #tpu.memory_space<vmem>>)
      %ge3A_281 = arith.constant 2 : i32
      %ge3A_282 = arith.cmpi sge, %add3A_266, %ge3A_281 : i32
      %convert_element_type3A_283 = arith.extui %ge3A_282 : i1 to i32
      %cond3A_284 = arith.constant 0 : i32
      %cond3A_285 = arith.cmpi ne, %convert_element_type3A_283, %cond3A_284 : i32
      scf.if %cond3A_285 {
        %sub3A = arith.constant 2 : i32
        %sub3A_317 = arith.subi %add3A_266, %sub3A : i32
        %dma_wait3A_318 = arith.constant 1 : i32
        %dma_wait3A_319 = arith.constant 1 : i32
        %dma_wait3A_320 = arith.constant 0 : i32
        %dma_wait3A_321 = arith.constant 0 : i32
        %dma_wait3A_322 = tpu.memref_slice %arg7[%dma_wait3A_318, %dma_wait3A_320, %dma_wait3A_321] : memref<2x64x512xf32, #tpu.memory_space<vmem>> -> memref<1x64x512xf32, #tpu.memory_space<vmem>>
        %dma_wait3A_323 = tpu.memref_squeeze %dma_wait3A_322 : memref<1x64x512xf32, #tpu.memory_space<vmem>> -> memref<64x512xf32, #tpu.memory_space<vmem>>
        %dma_wait3A_324 = arith.constant 0 : i32
        %dma_wait3A_325 = tpu.memref_slice %arg4[%sub3A_317, %dma_wait3A_324, %mul3A_2] : memref<200x64x16384xf32, #tpu.memory_space<hbm>> -> memref<1x64x512xf32, #tpu.memory_space<hbm>>
        %dma_wait3A_326 = tpu.memref_squeeze %dma_wait3A_325 : memref<1x64x512xf32, #tpu.memory_space<hbm>> -> memref<64x512xf32, #tpu.memory_space<hbm>>
        %dma_wait3A_327 = tpu.memref_slice %arg9[%dma_wait3A_319] : memref<2x!tpu.dma_semaphore, #tpu.memory_space<semaphore_mem>> -> memref<1x!tpu.dma_semaphore, #tpu.memory_space<semaphore_mem>>
        %dma_wait3A_328 = tpu.memref_squeeze %dma_wait3A_327 : memref<1x!tpu.dma_semaphore, #tpu.memory_space<semaphore_mem>> -> memref<!tpu.dma_semaphore, #tpu.memory_space<semaphore_mem>>
        %dma_wait3A_329 = arith.constant 0 : i32
        %dma_wait3A_330 = tpu.memref_slice %arg4[%sub3A_317, %dma_wait3A_329, %mul3A_2] : memref<200x64x16384xf32, #tpu.memory_space<hbm>> -> memref<1x64x512xf32, #tpu.memory_space<hbm>>
        %dma_wait3A_331 = tpu.memref_squeeze %dma_wait3A_330 : memref<1x64x512xf32, #tpu.memory_space<hbm>> -> memref<64x512xf32, #tpu.memory_space<hbm>>
        %dma_wait3A_332 = arith.constant 0 : i32
        %dma_wait3A_333 = arith.constant 0 : i32
        %dma_wait3A_334 = tpu.memref_slice %arg7[%dma_wait3A_318, %dma_wait3A_332, %dma_wait3A_333] : memref<2x64x512xf32, #tpu.memory_space<vmem>> -> memref<1x64x512xf32, #tpu.memory_space<vmem>>
        %dma_wait3A_335 = tpu.memref_squeeze %dma_wait3A_334 : memref<1x64x512xf32, #tpu.memory_space<vmem>> -> memref<64x512xf32, #tpu.memory_space<vmem>>
        tpu.wait_dma2 semaphore(%dma_wait3A_328 : memref<!tpu.dma_semaphore, #tpu.memory_space<semaphore_mem>>) src(%dma_wait3A_335 : memref<64x512xf32, #tpu.memory_space<vmem>>) dst(%dma_wait3A_331 : memref<64x512xf32, #tpu.memory_space<hbm>>)
      } else {
      }
      %scan3A_286 = arith.constant 0 : i32
      %scan3A_287 = arith.constant 0 : i32
      %scan3A_288 = arith.constant 64 : i32
      %scan3A_289 = arith.addi %scan3A_287, %scan3A_288 : i32
      %scan3A_290 = arith.constant 1 : i32
      scf.for %scan3A_317 = %scan3A_287 to %scan3A_289 step %scan3A_290  : i32 {
        %mul3A_318 = arith.constant 16 : i32
        %mul3A_319 = arith.muli %scan3A_317, %mul3A_318 : i32
        %get3A = arith.index_cast %mul3A_319 : i32 to index
        %get3A_320 = tpu.vector_load %arg5[%get3A] {strides = array<i32>} : memref<1024xf32, #tpu.memory_space<vmem>>, vector<16xf32>,
        %parallel_loop3A = arith.constant 0 : i32
        %parallel_loop3A_321 = arith.constant 32 : i32
        %parallel_loop3A_322 = arith.constant 1 : i32
        scf.for %parallel_loop3A_323 = %parallel_loop3A to %parallel_loop3A_321 step %parallel_loop3A_322  : i32 {
          %parallel_loop3A_324 = arith.constant 16 : i32
          %parallel_loop3A_325 = arith.muli %parallel_loop3A_323, %parallel_loop3A_324 : i32
          %parallel_loop3A_326 = arith.constant 3 : i32
          %parallel_loop3A_327 = arith.index_cast %parallel_loop3A_326 : i32 to index
          %parallel_loop3A_328 = arith.index_cast %parallel_loop3A_325 : i32 to index
          %parallel_loop3A_329 = tpu.vector_load %arg6[%parallel_loop3A_327, %parallel_loop3A_328] {strides = array<i32>} : memref<4x512xi32, #tpu.memory_space<vmem>>, vector<16xi32>,
          %parallel_loop3A_330 = vector.shape_cast %parallel_loop3A_329 : vector<16xi32> to vector<16x1xi32>
          %parallel_loop3A_331 = vector.shape_cast %parallel_loop3A_330 : vector<16x1xi32> to vector<16xi32>
          %parallel_loop3A_332 = tpu.dynamic_gather %get3A_320[%parallel_loop3A_331] in [0] : vector<16xf32>, vector<16xi32> -> vector<16xf32>
          %parallel_loop3A_333 = arith.constant 16 : i32
          %parallel_loop3A_334 = arith.muli %parallel_loop3A_323, %parallel_loop3A_333 : i32
          %parallel_loop3A_335 = arith.constant 1 : i32
          %parallel_loop3A_336 = arith.index_cast %parallel_loop3A_335 : i32 to index
          %parallel_loop3A_337 = arith.index_cast %scan3A_317 : i32 to index
          %parallel_loop3A_338 = arith.index_cast %parallel_loop3A_334 : i32 to index
          %parallel_loop3A_339 = tpu.vector_load %arg7[%parallel_loop3A_336, %parallel_loop3A_337, %parallel_loop3A_338] {strides = array<i32>} : memref<2x64x512xf32, #tpu.memory_space<vmem>>, vector<16xf32>,
          tpu.vector_store %arg7[%parallel_loop3A_336, %parallel_loop3A_337, %parallel_loop3A_338], %parallel_loop3A_332 {strides = array<i32>} : memref<2x64x512xf32, #tpu.memory_space<vmem>>, vector<16xf32>,
        } {sc.loop_unroll_factor = 16 : i64, sc.parallel_access}
      }
      %scan3A_291 = arith.constant 64 : i32
      %dma_start3A_292 = arith.constant 1 : i32
      %dma_start3A_293 = arith.constant 1 : i32
      %dma_start3A_294 = arith.constant 0 : i32
      %dma_start3A_295 = arith.constant 0 : i32
      %dma_start3A_296 = tpu.memref_slice %arg7[%dma_start3A_292, %dma_start3A_294, %dma_start3A_295] : memref<2x64x512xf32, #tpu.memory_space<vmem>> -> memref<1x64x512xf32, #tpu.memory_space<vmem>>
      %dma_start3A_297 = tpu.memref_squeeze %dma_start3A_296 : memref<1x64x512xf32, #tpu.memory_space<vmem>> -> memref<64x512xf32, #tpu.memory_space<vmem>>
      %dma_start3A_298 = arith.constant 0 : i32
      %dma_start3A_299 = tpu.memref_slice %arg4[%add3A_266, %dma_start3A_298, %mul3A_2] : memref<200x64x16384xf32, #tpu.memory_space<hbm>> -> memref<1x64x512xf32, #tpu.memory_space<hbm>>
      %dma_start3A_300 = tpu.memref_squeeze %dma_start3A_299 : memref<1x64x512xf32, #tpu.memory_space<hbm>> -> memref<64x512xf32, #tpu.memory_space<hbm>>
      %dma_start3A_301 = tpu.memref_slice %arg9[%dma_start3A_293] : memref<2x!tpu.dma_semaphore, #tpu.memory_space<semaphore_mem>> -> memref<1x!tpu.dma_semaphore, #tpu.memory_space<semaphore_mem>>
      %dma_start3A_302 = tpu.memref_squeeze %dma_start3A_301 : memref<1x!tpu.dma_semaphore, #tpu.memory_space<semaphore_mem>> -> memref<!tpu.dma_semaphore, #tpu.memory_space<semaphore_mem>>
      %dma_start3A_303 = arith.constant 0 : i32
      %dma_start3A_304 = tpu.memref_slice %arg4[%add3A_266, %dma_start3A_303, %mul3A_2] : memref<200x64x16384xf32, #tpu.memory_space<hbm>> -> memref<1x64x512xf32, #tpu.memory_space<hbm>>
      %dma_start3A_305 = tpu.memref_squeeze %dma_start3A_304 : memref<1x64x512xf32, #tpu.memory_space<hbm>> -> memref<64x512xf32, #tpu.memory_space<hbm>>
      %dma_start3A_306 = arith.constant 0 : i32
      %dma_start3A_307 = arith.constant 0 : i32
      %dma_start3A_308 = tpu.memref_slice %arg7[%dma_start3A_292, %dma_start3A_306, %dma_start3A_307] : memref<2x64x512xf32, #tpu.memory_space<vmem>> -> memref<1x64x512xf32, #tpu.memory_space<vmem>>
      %dma_start3A_309 = tpu.memref_squeeze %dma_start3A_308 : memref<1x64x512xf32, #tpu.memory_space<vmem>> -> memref<64x512xf32, #tpu.memory_space<vmem>>
      tpu.enqueue_dma source(%dma_start3A_309 : memref<64x512xf32, #tpu.memory_space<vmem>>) target(%dma_start3A_305 : memref<64x512xf32, #tpu.memory_space<hbm>>) target_semaphore(%dma_start3A_302 : memref<!tpu.dma_semaphore, #tpu.memory_space<semaphore_mem>>)
      %add3A_310 = arith.constant 4 : i32
      %add3A_311 = arith.addi %add3A_266, %add3A_310 : i32
      %lt3A_312 = arith.constant 200 : i32
      %lt3A_313 = arith.cmpi slt, %add3A_311, %lt3A_312 : i32
      %convert_element_type3A_314 = arith.extui %lt3A_313 : i1 to i32
      %cond3A_315 = arith.constant 0 : i32
      %cond3A_316 = arith.cmpi ne, %convert_element_type3A_314, %cond3A_315 : i32
      scf.if %cond3A_316 {
        %add3A_317 = arith.constant 4 : i32
        %add3A_318 = arith.addi %add3A_266, %add3A_317 : i32
        %dma_start3A_319 = arith.constant 3 : i32
        %dma_start3A_320 = arith.constant 3 : i32
        %dma_start3A_321 = arith.constant 0 : i32
        %dma_start3A_322 = tpu.memref_slice %arg6[%dma_start3A_319, %dma_start3A_321] : memref<4x512xi32, #tpu.memory_space<vmem>> -> memref<1x512xi32, #tpu.memory_space<vmem>>
        %dma_start3A_323 = tpu.memref_squeeze %dma_start3A_322 : memref<1x512xi32, #tpu.memory_space<vmem>> -> memref<512xi32, #tpu.memory_space<vmem>>
        %dma_start3A_324 = tpu.memref_slice %arg3[%add3A_318, %mul3A_2] : memref<200x16384xi32, #tpu.memory_space<hbm>> -> memref<1x512xi32, #tpu.memory_space<hbm>>
        %dma_start3A_325 = tpu.memref_squeeze %dma_start3A_324 : memref<1x512xi32, #tpu.memory_space<hbm>> -> memref<512xi32, #tpu.memory_space<hbm>>
        %dma_start3A_326 = tpu.memref_slice %arg8[%dma_start3A_320] : memref<4x!tpu.dma_semaphore, #tpu.memory_space<semaphore_mem>> -> memref<1x!tpu.dma_semaphore, #tpu.memory_space<semaphore_mem>>
        %dma_start3A_327 = tpu.memref_squeeze %dma_start3A_326 : memref<1x!tpu.dma_semaphore, #tpu.memory_space<semaphore_mem>> -> memref<!tpu.dma_semaphore, #tpu.memory_space<semaphore_mem>>
        %dma_start3A_328 = arith.constant 0 : i32
        %dma_start3A_329 = tpu.memref_slice %arg6[%dma_start3A_319, %dma_start3A_328] : memref<4x512xi32, #tpu.memory_space<vmem>> -> memref<1x512xi32, #tpu.memory_space<vmem>>
        %dma_start3A_330 = tpu.memref_squeeze %dma_start3A_329 : memref<1x512xi32, #tpu.memory_space<vmem>> -> memref<512xi32, #tpu.memory_space<vmem>>
        %dma_start3A_331 = tpu.memref_slice %arg3[%add3A_318, %mul3A_2] : memref<200x16384xi32, #tpu.memory_space<hbm>> -> memref<1x512xi32, #tpu.memory_space<hbm>>
        %dma_start3A_332 = tpu.memref_squeeze %dma_start3A_331 : memref<1x512xi32, #tpu.memory_space<hbm>> -> memref<512xi32, #tpu.memory_space<hbm>>
        tpu.enqueue_dma source(%dma_start3A_332 : memref<512xi32, #tpu.memory_space<hbm>>) target(%dma_start3A_330 : memref<512xi32, #tpu.memory_space<vmem>>) target_semaphore(%dma_start3A_327 : memref<!tpu.dma_semaphore, #tpu.memory_space<semaphore_mem>>)
      } else {
      }
    }
    %scan3A_66 = arith.constant 50 : i32
    %dma_wait3A = arith.constant 0 : i32
    %dma_wait3A_67 = arith.constant 198 : i32
    %dma_wait3A_68 = arith.constant 0 : i32
    %dma_wait3A_69 = arith.constant 0 : i32
    %dma_wait3A_70 = arith.constant 0 : i32
    %dma_wait3A_71 = tpu.memref_slice %arg7[%dma_wait3A, %dma_wait3A_69, %dma_wait3A_70] : memref<2x64x512xf32, #tpu.memory_space<vmem>> -> memref<1x64x512xf32, #tpu.memory_space<vmem>>
    %dma_wait3A_72 = tpu.memref_squeeze %dma_wait3A_71 : memref<1x64x512xf32, #tpu.memory_space<vmem>> -> memref<64x512xf32, #tpu.memory_space<vmem>>
    %dma_wait3A_73 = arith.constant 0 : i32
    %dma_wait3A_74 = tpu.memref_slice %arg4[%dma_wait3A_67, %dma_wait3A_73, %mul3A_2] : memref<200x64x16384xf32, #tpu.memory_space<hbm>> -> memref<1x64x512xf32, #tpu.memory_space<hbm>>
    %dma_wait3A_75 = tpu.memref_squeeze %dma_wait3A_74 : memref<1x64x512xf32, #tpu.memory_space<hbm>> -> memref<64x512xf32, #tpu.memory_space<hbm>>
    %dma_wait3A_76 = tpu.memref_slice %arg9[%dma_wait3A_68] : memref<2x!tpu.dma_semaphore, #tpu.memory_space<semaphore_mem>> -> memref<1x!tpu.dma_semaphore, #tpu.memory_space<semaphore_mem>>
    %dma_wait3A_77 = tpu.memref_squeeze %dma_wait3A_76 : memref<1x!tpu.dma_semaphore, #tpu.memory_space<semaphore_mem>> -> memref<!tpu.dma_semaphore, #tpu.memory_space<semaphore_mem>>
    %dma_wait3A_78 = arith.constant 0 : i32
    %dma_wait3A_79 = tpu.memref_slice %arg4[%dma_wait3A_67, %dma_wait3A_78, %mul3A_2] : memref<200x64x16384xf32, #tpu.memory_space<hbm>> -> memref<1x64x512xf32, #tpu.memory_space<hbm>>
    %dma_wait3A_80 = tpu.memref_squeeze %dma_wait3A_79 : memref<1x64x512xf32, #tpu.memory_space<hbm>> -> memref<64x512xf32, #tpu.memory_space<hbm>>
    %dma_wait3A_81 = arith.constant 0 : i32
    %dma_wait3A_82 = arith.constant 0 : i32
    %dma_wait3A_83 = tpu.memref_slice %arg7[%dma_wait3A, %dma_wait3A_81, %dma_wait3A_82] : memref<2x64x512xf32, #tpu.memory_space<vmem>> -> memref<1x64x512xf32, #tpu.memory_space<vmem>>
    %dma_wait3A_84 = tpu.memref_squeeze %dma_wait3A_83 : memref<1x64x512xf32, #tpu.memory_space<vmem>> -> memref<64x512xf32, #tpu.memory_space<vmem>>
    tpu.wait_dma2 semaphore(%dma_wait3A_77 : memref<!tpu.dma_semaphore, #tpu.memory_space<semaphore_mem>>) src(%dma_wait3A_84 : memref<64x512xf32, #tpu.memory_space<vmem>>) dst(%dma_wait3A_80 : memref<64x512xf32, #tpu.memory_space<hbm>>)
    %dma_wait3A_85 = arith.constant 1 : i32
    %dma_wait3A_86 = arith.constant 199 : i32
    %dma_wait3A_87 = arith.constant 1 : i32
    %dma_wait3A_88 = arith.constant 0 : i32
    %dma_wait3A_89 = arith.constant 0 : i32
    %dma_wait3A_90 = tpu.memref_slice %arg7[%dma_wait3A_85, %dma_wait3A_88, %dma_wait3A_89] : memref<2x64x512xf32, #tpu.memory_space<vmem>> -> memref<1x64x512xf32, #tpu.memory_space<vmem>>
    %dma_wait3A_91 = tpu.memref_squeeze %dma_wait3A_90 : memref<1x64x512xf32, #tpu.memory_space<vmem>> -> memref<64x512xf32, #tpu.memory_space<vmem>>
    %dma_wait3A_92 = arith.constant 0 : i32
    %dma_wait3A_93 = tpu.memref_slice %arg4[%dma_wait3A_86, %dma_wait3A_92, %mul3A_2] : memref<200x64x16384xf32, #tpu.memory_space<hbm>> -> memref<1x64x512xf32, #tpu.memory_space<hbm>>
    %dma_wait3A_94 = tpu.memref_squeeze %dma_wait3A_93 : memref<1x64x512xf32, #tpu.memory_space<hbm>> -> memref<64x512xf32, #tpu.memory_space<hbm>>
    %dma_wait3A_95 = tpu.memref_slice %arg9[%dma_wait3A_87] : memref<2x!tpu.dma_semaphore, #tpu.memory_space<semaphore_mem>> -> memref<1x!tpu.dma_semaphore, #tpu.memory_space<semaphore_mem>>
    %dma_wait3A_96 = tpu.memref_squeeze %dma_wait3A_95 : memref<1x!tpu.dma_semaphore, #tpu.memory_space<semaphore_mem>> -> memref<!tpu.dma_semaphore, #tpu.memory_space<semaphore_mem>>
    %dma_wait3A_97 = arith.constant 0 : i32
    %dma_wait3A_98 = tpu.memref_slice %arg4[%dma_wait3A_86, %dma_wait3A_97, %mul3A_2] : memref<200x64x16384xf32, #tpu.memory_space<hbm>> -> memref<1x64x512xf32, #tpu.memory_space<hbm>>
    %dma_wait3A_99 = tpu.memref_squeeze %dma_wait3A_98 : memref<1x64x512xf32, #tpu.memory_space<hbm>> -> memref<64x512xf32, #tpu.memory_space<hbm>>
    %dma_wait3A_100 = arith.constant 0 : i32
    %dma_wait3A_101 = arith.constant 0 : i32
    %dma_wait3A_102 = tpu.memref_slice %arg7[%dma_wait3A_85, %dma_wait3A_100, %dma_wait3A_101] : memref<2x64x512xf32, #tpu.memory_space<vmem>> -> memref<1x64x512xf32, #tpu.memory_space<vmem>>
    %dma_wait3A_103 = tpu.memref_squeeze %dma_wait3A_102 : memref<1x64x512xf32, #tpu.memory_space<vmem>> -> memref<64x512xf32, #tpu.memory_space<vmem>>
    tpu.wait_dma2 semaphore(%dma_wait3A_96 : memref<!tpu.dma_semaphore, #tpu.memory_space<semaphore_mem>>) src(%dma_wait3A_103 : memref<64x512xf32, #tpu.memory_space<vmem>>) dst(%dma_wait3A_99 : memref<64x512xf32, #tpu.memory_space<hbm>>)
    return
  }
}

</mosaic_0001>

<sc_bundles>
// kernel: kernel.3.cloned.1.call-start
scs
__scs_entry_jumppad:
0x0: {  	(pc) =	sbr.rel $0x88, $3  }
0x1: {  	(tag) =	ssettag $0x0;
	lr =	simm.s32 $0x1  }
0x2: {  	[smem:$0x3F9F] =	sst lr;
	_ =	strace $0xD0000000  }
0x3: {  	_ = 	snop  }
0x4: {  	_ = 	snop  }
0x5: {  	_ = 	snop  }
0x6: {  	_ = 	snop  }
0x7: {  	_ = 	snop  }
__scs_overlays_trampoline_lowered:
0x8: {  	[smem:$0x3FAE] =	sst s0  }
0x9: {  	[smem:$0x3FAF] =	sst s1  }
0xa: {  	[smem:$0x3FB0] =	sst s2  }
0xb: {  	[smem:$0x3FB1] =	sst s3  }
0xc: {  	[smem:$0x3FB2] =	sst s4  }
0xd: {  	[smem:$0x3FB3] =	sst s5  }
0xe: {  	[smem:$0x3FB4] =	sst s6  }
0xf: {  	[smem:$0x3FB5] =	sst s7  }
0x10: {  	[smem:$0x3FB6] =	sst s8  }
0x11: {  	[smem:$0x3FB7] =	sst s9;
	s0 =	simm.s32 @!p0 $0x0  }
0x12: {  	s1 =	sld [smem:$0x3F9D];
	s0 =	simm.s32 @p0 $0x1  }
0x13: {  	[smem:$0x3FB8] =	sst s0;
	s0 =	simm.s32 @!p1 $0x0  }
0x14: {  	s2 =	sld [smem:$0x3F9C];
	s0 =	simm.s32 @p1 $0x1  }
0x15: {  	[smem:$0x3FB9] =	sst s0;
	s0 =	simm.s32 @!p2 $0x0  }
0x16: {  	s3 =	sld [smem:$0x3FDB];
	s0 =	simm.s32 @p2 $0x1  }
0x17: {  	s4 =	simm.s32 $0x1BF5;
	[smem:$0x3FBB] =	sst s0  }
0x18: {  	s0 =	sld [smem:$0x3F9E];
	_ =	swait.ge [sflag:s4], $0x0  }
0x19: {  	s7 =	sld [smem:$0x3F9F]  }
0x1a: {  	s8 =	sadd.s32 $0xFFFFE003, lr  }
0x1b: {  	s9 =	sadd.s32 $0xFFFFFEF7, lr;
	s5 =	simm.s32 $0xFFFFFFFF;
	p2 =	slt.u32 s8, $0xFFFFF086  }
0x1c: {  	p1 =	slt.u32 s9, $0xF7A;
	s5 =	simm.s32 @!p2 $0x0  }
0x1d: {  	s5 =	simm.s32 @p1 $0x1;
	p0 =	seq.s32 s7, s2  }
0x1e: {  	s7 =	smul.u32 @!p0 $0xF7A, s2;
	p2 =	seq.s32 @!p0 s5, $0x0  }
0x1f: {  	s9 =	smul.u32 $0xF7A, s1;
	s8 =	simm.s32 @!p0 $0x1BF5;
	p2 =	por !p2, p0  }
0x20: {  	[sflag:s8] =	ssyncset.s32 @!p0 $0xFFFFF086;
	s6 =	sadd.s32 @!p0 s3, s7;
	s7 =	simm.s32 @!p0 $0x108  }
0x21: {  	s3 =	sadd.s32 s3, s9;
	s6 =	sadd.s32 @!p0 $0x88, s6;
	s7 =	simm.s32 @p2 $0x1082  }
0x22: {  	[simem:s7], [sflag:s8] =	dma.local @!p0 [hbm:s6], $0xF7A  }
0x23: {  	s9 =	sor.u32 $0xD0000000, s2;
	s6 =	simm.s32 $0x108;
	_ =	swait.ge @!p0 [sflag:s8], $0x0  }
0x24: {  	s3 =	sadd.s32 $0x88, s3;
	s6 =	simm.s32 @!p1 $0x1082;
	[sflag:s4] =	ssyncset.s32 $0xFFFFF086  }
0x25: {  	[simem:s6], [sflag:s4] =	dma.local [hbm:s3], $0xF7A  }
0x26: {  	[smem:$0x3F9F] =	sst s1;
	(tag) =	ssettag s2;
	_ =	strace s9  }
0x27: {  	s1 =	sld [smem:$0x3FAF]  }
0x28: {  	s2 =	sld [smem:$0x3FB0]  }
0x29: {  	s4 =	sld [smem:$0x3FB2]  }
0x2a: {  	p0 =	seq.s32 s5, $0x0;
	s5 =	sld [smem:$0x3FB3]  }
0x2b: {  	s6 =	sld [smem:$0x3FB4]  }
0x2c: {  	s7 =	sld [smem:$0x3FB5]  }
0x2d: {  	s3 =	simm.s32 $0x108;
	s8 =	sld [smem:$0x3FB6]  }
0x2e: {  	s3 =	simm.s32 @!p0 $0x1082;
	s9 =	sld [smem:$0x3FB7]  }
0x2f: {  	lr =	sadd.s32 s0, s3;
	s0 =	sld [smem:$0x3FAE]  }
0x30: {  	s3 =	sld [smem:$0x3FB1]  }
0x31: {  	[smem:$0x3FBA] =	sst s10  }
0x32: {  	s10 =	sld [smem:$0x3FB8];
	_ =	sdelay $0x3  }
0x33: {  	p0 =	seq.s32 s10, $0x1;
	s10 =	sld [smem:$0x3FBA];
	_ =	sdelay $0x3  }
0x34: {  	[smem:$0x3FBA] =	sst s10  }
0x35: {  	s10 =	sld [smem:$0x3FB9];
	_ =	sdelay $0x3  }
0x36: {  	p1 =	seq.s32 s10, $0x1;
	s10 =	sld [smem:$0x3FBA];
	_ =	sdelay $0x3  }
0x37: {  	[smem:$0x3FBA] =	sst s10  }
0x38: {  	s10 =	sld [smem:$0x3FBB]  }
0x39: {  	_ = 	snop;
	(pc) =	sbr.ind lr, $3  }
0x3a: {  	_ = 	snop  }
0x3b: {  	_ = 	snop  }
0x3c: {  	p2 =	seq.s32 s10, $0x1;
	s10 =	sld [smem:$0x3FBA]  }
0x3d: {  	_ =	shalt  }
0x3e: {  	_ =	shalt  }
0x3f: {  	_ =	shalt  }
0x40: {  	_ =	shalt  }
0x41: {  	_ =	shalt  }
0x42: {  	_ =	shalt  }
0x43: {  	_ =	shalt  }
0x44: {  	_ =	shalt  }
0x45: {  	_ =	shalt  }
0x46: {  	_ =	shalt  }
0x47: {  	_ =	shalt  }
0x48: {  	_ =	shalt  }
0x49: {  	_ =	shalt  }
0x4a: {  	_ =	shalt  }
0x4b: {  	_ =	shalt  }
0x4c: {  	_ =	shalt  }
0x4d: {  	_ =	shalt  }
0x4e: {  	_ =	shalt  }
0x4f: {  	_ =	shalt  }
0x50: {  	_ =	shalt  }
0x51: {  	_ =	shalt  }
0x52: {  	_ =	shalt  }
0x53: {  	_ =	shalt  }
0x54: {  	_ =	shalt  }
0x55: {  	_ =	shalt  }
0x56: {  	_ =	shalt  }
0x57: {  	_ =	shalt  }
0x58: {  	_ =	shalt  }
0x59: {  	_ =	shalt  }
0x5a: {  	_ =	shalt  }
0x5b: {  	_ =	shalt  }
0x5c: {  	_ =	shalt  }
0x5d: {  	_ =	shalt  }
0x5e: {  	_ =	shalt  }
0x5f: {  	_ =	shalt  }
0x60: {  	_ =	shalt  }
0x61: {  	_ =	shalt  }
0x62: {  	_ =	shalt  }
0x63: {  	_ =	shalt  }
0x64: {  	_ =	shalt  }
0x65: {  	_ =	shalt  }
0x66: {  	_ =	shalt  }
0x67: {  	_ =	shalt  }
0x68: {  	_ =	shalt  }
0x69: {  	_ =	shalt  }
0x6a: {  	_ =	shalt  }
0x6b: {  	_ =	shalt  }
0x6c: {  	_ =	shalt  }
0x6d: {  	_ =	shalt  }
0x6e: {  	_ =	shalt  }
0x6f: {  	_ =	shalt  }
0x70: {  	_ =	shalt  }
0x71: {  	_ =	shalt  }
0x72: {  	_ =	shalt  }
0x73: {  	_ =	shalt  }
0x74: {  	_ =	shalt  }
0x75: {  	_ =	shalt  }
0x76: {  	_ =	shalt  }
0x77: {  	_ =	shalt  }
0x78: {  	_ =	shalt  }
0x79: {  	_ =	shalt  }
0x7a: {  	_ =	shalt  }
0x7b: {  	_ =	shalt  }
0x7c: {  	_ =	shalt  }
0x7d: {  	_ =	shalt  }
0x7e: {  	_ =	shalt  }
0x7f: {  	_ =	shalt  }
0x80: {  	_ =	shalt  }
0x81: {  	_ =	shalt  }
0x82: {  	_ =	shalt  }
0x83: {  	_ =	shalt  }
0x84: {  	_ =	shalt  }
0x85: {  	_ =	shalt  }
0x86: {  	_ =	shalt  }
0x87: {  	_ =	shalt  }
.Lfunc_end0:
.L_simem_size_0:
called_computation_lowered:
.L_overlay_start_0:
0x88: {  	s2 =	sld [smem:$0x3FD9]  }
0x89: {  	s3 =	sld [smem:$0x3FFE];
	_ =	sdelay $0x1  }
0x8a: {  	s1 =	srdreg.scid  }
0x8b: {  	s0 =	sand.u32 $0x1, s1  }
0x8c: {  	s17 =	sshll.u32 s0, $0xA;
	s2 =	sadd.s32 s3, s2  }
0x8d: {  	s2 =	sadd.s32 s2, s17  }
0x8e: {  	[smem:$0x3FC6] =	sst s2  }
0x8f: {  	_ = 	snop  }
0x90: {  	s2 =	sld [smem:$0x3FC9]  }
0x91: {  	s18 =	sld [smem:$0x3FD0];
	(tm) =	ssettm $0x1  }
0x92: {  	s4 =	sld [smem:$0x3FFB];
	_ =	sdelay $0x3  }
0x93: {  	_ =	strace s4  }
0x94: {  	s4 =	sld [smem:$0x3FFC];
	_ =	sdelay $0x3  }
0x95: {  	_ =	strace s4  }
0x96: {  	s4 =	sld [smem:$0x3FFD];
	_ =	sdelay $0x3  }
0x97: {  	_ =	strace s4  }
0x98: {  	_ =	strace $0x8FFFFFFF  }
0x99: {  	s19 =	sld [smem:$0x3FDB];
	_ =	sdelay $0x1  }
0x9a: {  	s5 =	simm.s32 $_scs_section_size  }
0x9b: {  	s6 =	simm.s32 $_size__tile_overlayer_lowered;
	s7 =	simm.s32 $_tile_overlayer_lowered  }
0x9c: {  	s22 =	simm.s32 $0x1BFF;
	s21 =	sshll.u32 s7, $0x1;
	s4 =	sadd.s32 s5, s19  }
0x9d: {  	s8 =	simm.s32 $0x0;
	s20 =	sshll.u32 s6, $0x1;
	s6 =	sadd.s32 s21, s4  }
0x9e: {  	[timem:s8], [sflag:s22] =	dma.local [hbm:s6], s20  }
0x9f: {  	_ =	swait.ge [sflag:s22], s20  }
0xa0: {  	s5 =	ssub.s32 $0x0, s20;
	[sflag:s22] =	ssyncset.done $0x0  }
0xa1: {  	[sflag:s22] =	ssyncadd.s32 s5;
	_ =	sdelay $0x1  }
0xa2: {  	s23 =	simm.s32 $0x1B8B  }
0xa3: {  	_ =	swait.ge [sflag:s23], $0x1  }
0xa4: {  	[sflag:s23] =	ssyncset.done $0x0  }
0xa5: {  	s25 =	simm.s32 $0x1B8E;
	s24 =	sld [smem:$0x3FFE];
	[sflag:s23] =	ssyncadd.s32 $0xFFFFFFFF  }
0xa6: {  	s26 =	simm.s32 $execute0_lowered;
	[smem:$0x3FD2] =	sst s25  }
0xa7: {  	s6 =	sshll.u32 s26, $0x1;
	_ =	strace $0x80000046;
	[dreg:$0x1] =	wrdreg $0xFFFFFFFF  }
0xa8: {  	s28 =	simm.s32 $_size_execute0_lowered;
	s4 =	sadd.s32 s4, s6;
	[dreg:$0x0] =	wrdreg $0x0  }
0xa9: {  	s6 =	sshll.u32 s28, $0x1;
	[dreg:$0x2] =	wrdreg s4  }
0xaa: {  	[dreg:$0x3] =	wrdreg s6  }
0xab: {  	[dreg:$0x4] =	wrdreg $0xC0  }
0xac: {  	_ =	task [dreg:s8], $0x5FFFF  }
0xad: {  	[dreg:$0x1] =	wrdreg $0xFFFFFFFF  }
0xae: {  	[dreg:$0x0] =	wrdreg $0x60  }
0xaf: {  	[dreg:$0x2] =	wrdreg s24  }
0xb0: {  	[dreg:$0x3] =	wrdreg s2  }
0xb1: {  	[dreg:$0x4] =	wrdreg s18  }
0xb2: {  	[dreg:$0x5] =	wrdreg $0x9  }
0xb3: {  	_ =	task.clear_ibuf [dreg:s8], $0x6FFFF;
	_ =	strace $0x90000046  }
0xb4: {  	s29 =	simm.s32 $0x9;
	_ =	strace $0x80000048  }
0xb5: {  	_ =	swait.ge [sflag:s29], $0x1  }
0xb6: {  	[sflag:s29] =	ssyncadd.s32 $0xFFFFFFFF  }
0xb7: {  	_ =	strace $0x90000048  }
0xb8: {  	_ =	sfence  }
0xb9: {  	s30 =	sld [smem:$0x0];
	_ =	sdelay $0x2  }
0xba: {  	s31 =	sshll.u32 s1, $0xD;
	s1 =	sshrl.u32 s1, $0x2  }
0xbb: {  	s3 =	sand.u32 $0x4000, s31;
	s1 =	sadd.s32 s1, s30  }
0xbc: {  	s0 =	sor.u32 s3, s0;
	s1 =	sshll.u32 s1, $0x11  }
0xbd: {  	s0 =	sor.u32 s1, s0  }
0xbe: {  	s0 =	sadd.s32 $0x8F2B, s0  }
0xbf: {  	[sflag:s0] =	ssyncadd.remote.s32 $0x1  }
0xc0: {  	_ =	sfence.sel $0xFFFF  }
0xc1: {  	[dreg:$0x0] =	wrdreg $0xFFFFFFFF;
	(pc) =	sbr.abs _section_cstart, $3  }
0xc2: {  	[dreg:$0x1] =	wrdreg $0xFFFFFFFF  }
0xc3: {  	_ =	task.clear_ibuf [dreg:s8], $0x2FFFF;
	_ =	strace $0x9FFFFFFF  }
0xc4: {  	(tm) =	ssettm $0x7FFFFFFF  }
0xc5: {  	_ =	shalt  }
tec
execute0_lowered:
.L_overlay_start_1:
0x0: {  	(tag) =	ssettag $0x1  }
0x1: {  	s0 =	srdreg.scid;
	s3 =	rddreg [dreg:$0x1]  }
0x2: {  	s1 =	stileid.u32;
	s4 =	rddreg [dreg:$0x2]  }
0x3: {  	s5 =	simm.s32 $0x0;
	s20 =	simm.s32 $0x800;
	s28 =	simm.s32 $0x980  }
0x4: {  	s30 =	simm.s32 $0xB80;
	s31 =	simm.s32 $0x1;
	s0 =	sand.u32 $0x1, s0  }
0x5: {  	s14 =	simm.s32 $0x2;
	s2 =	sshll.u32 s0, $0xC;
	s0 =	ssub.s32 $0x2, s0  }
0x6: {  	s17 =	simm.s32 $0x6;
	s1 =	sshll.u32 s1, $0xD;
	s18 =	sshrl.u32 s0, $0x1  }
0x7: {  	s8 =	simm.s32 $0x0;
	s6 =	sor.u32 s2, s1;
	s0 =	ssub.s32 s0, s18  }
0x8: {  	[smem:$0x7FF] =	sst s5;
	s1 =	sshrl.u32 s6, $0x3;
	s0 =	smax.u32 s0, $0x1  }
0x9: {  	_ =	strace $0x80000047;
	s1 =	sadd.s32 s3, s1;
	[dreg:$0x8] =	wrdreg s0  }
0xa: {  	s11 =	sadd.s32 $0x20000, s4;
	s7 =	sadd.s32 $0x20, s1;
	[dreg:$0x4] =	wrdreg s1  }
0xb: {  	s12 =	sadd.s32 $0x40000, s4;
	s21 =	sadd.s32 $0x30, s1;
	[dreg:$0x6] =	wrdreg s7  }
0xc: {  	s13 =	sadd.s32 $0x60000, s4;
	s22 =	sadd.s32 $0x80, s1;
	[dreg:$0x7] =	wrdreg s21  }
0xd: {  	s2 =	simm.s32 $0x1000;
	s23 =	sadd.s32 $0x100, s1;
	[dreg:$0x9] =	wrdreg s22  }
0xe: {  	s19 =	sadd.s32 $0x10, s1;
	s24 =	sadd.s32 $0x180, s1;
	[dreg:$0xa] =	wrdreg s23  }
0xf: {  	s0 =	simm.s32 $0x20000;
	s1 =	simm.s32 $0xC00;
	[dreg:$0xb] =	wrdreg s24  }
.Ltmp0:
0x10: {  	s22 =	simm.s32 $0xA00;
	s25 =	sadd.s32 $0x80, s19;
	(pc) =	sbr.rel .LBB2_1-.Ltmp0, $4  }
0x11: {  	s26 =	sadd.s32 $0x100, s19;
	[dreg:$0x5] =	wrdreg s19;
	s29 =	sadd.s32 $0x180, s19  }
0x12: {  	s23 =	simm.s32 $0x580;
	s19 =	simm.s32 $0x8C00;
	[dreg:$0xc] =	wrdreg s25  }
0x13: {  	s21 =	simm.s32 $0x3;
	s24 =	simm.s32 $0x5;
	[dreg:$0xd] =	wrdreg s26  }
0x14: {  	[dreg:$0xe] =	wrdreg s29;
	s25 =	simm.s32 $0x780;
	s26 =	simm.s32 $0x4  }
.LBB2_24:
0x15: {  	_ =	swait.ge [sflag:s24], $0x8000  }
0x16: {  	[sflag:s24] =	ssyncset.done $0x0  }
0x17: {  	[sflag:s24] =	ssyncadd.s32 $0xFFFF8000  }
0x18: {  	_ =	swait.ge [sflag:s17], $0x8000  }
0x19: {  	s8 =	rddreg [dreg:$0xf]  }
0x1a: {  	s7 =	rddreg [dreg:$0x8];
	s8 =	sadd.s32 $0x1, s8  }
0x1b: {  	p0 =	sne.s32 s8, s7  }
.Ltmp1:
0x1c: {  	_ = 	snop;
	(pc) =	sbr.rel @!p0 .LBB2_25-.Ltmp1, $3  }
0x1d: {  	_ =	sdelay $0x1  }
0x1e: {  	[sflag:s17] =	ssyncset.done $0x0  }
0x1f: {  	[sflag:s17] =	ssyncadd.s32 $0xFFFF8000  }
.LBB2_1:
0x20: {  	[dreg:$0xf] =	wrdreg s8  }
0x21: {  	s7 =	rddreg [dreg:$0x0];
	s9 =	simm.s32 $0x7  }
0x22: {  	[tilespmem:s5], [sflag:$0x7] =	stream.linear.gather [hbm4b:s7+s5], $0x400, $0x38;
	[tilespmem:$0x10C00] =	vst v63  }
0x23: {  	_ =	swait.ge [sflag:s9], $0x400  }
0x24: {  	[sflag:s9] =	ssyncset.done $0x0  }
0x25: {  	s15 =	simm.s32 $0x400;
	s10 =	rddreg [dreg:$0x4];
	[sflag:s9] =	ssyncadd.s32 $0xFFFFFC00  }
0x26: {  	[tilespmem:s15], [sflag:$0x1] =	stream.linear.gather [hbm4b:s10+s5], $0x80, $0x38;
	[tilespmem:$0x10C00] =	vst v63  }
0x27: {  	s18 =	simm.s32 $0x600;
	s16 =	rddreg [dreg:$0x9]  }
0x28: {  	[tilespmem:s18], [sflag:$0x1] =	stream.linear.gather [hbm4b:s16+s5], $0x80, $0x38;
	[tilespmem:$0x10C00] =	vst v63  }
0x29: {  	s29 =	rddreg [dreg:$0xa]  }
0x2a: {  	[tilespmem:s20], [sflag:$0x1] =	stream.linear.gather [hbm4b:s29+s5], $0x80, $0x38;
	[tilespmem:$0x10C00] =	vst v63  }
0x2b: {  	s8 =	rddreg [dreg:$0xb]  }
0x2c: {  	[tilespmem:s22], [sflag:$0x1] =	stream.linear.gather [hbm4b:s8+s5], $0x80, $0x38;
	[tilespmem:$0x10C00] =	vst v63  }
0x2d: {  	s9 =	rddreg [dreg:$0x5];
	s10 =	simm.s32 $0x480  }
0x2e: {  	[tilespmem:s10], [sflag:$0x2] =	stream.linear.gather [hbm4b:s9+s5], $0x80, $0x38;
	[tilespmem:$0x10C00] =	vst v63  }
0x2f: {  	s15 =	rddreg [dreg:$0xc];
	s16 =	simm.s32 $0x680  }
0x30: {  	[tilespmem:s16], [sflag:$0x2] =	stream.linear.gather [hbm4b:s15+s5], $0x80, $0x38;
	[tilespmem:$0x10C00] =	vst v63  }
0x31: {  	s18 =	rddreg [dreg:$0xd];
	s29 =	simm.s32 $0x880  }
0x32: {  	[tilespmem:s29], [sflag:$0x2] =	stream.linear.gather [hbm4b:s18+s5], $0x80, $0x38;
	[tilespmem:$0x10C00] =	vst v63  }
0x33: {  	s8 =	rddreg [dreg:$0xe];
	s9 =	simm.s32 $0xA80  }
0x34: {  	[tilespmem:s9], [sflag:$0x2] =	stream.linear.gather [hbm4b:s8+s5], $0x80, $0x38;
	[tilespmem:$0x10C00] =	vst v63  }
0x35: {  	s10 =	rddreg [dreg:$0x6];
	s15 =	simm.s32 $0x500  }
0x36: {  	[tilespmem:s15], [sflag:$0x3] =	stream.linear.gather [hbm4b:s10+s5], $0x80, $0x38;
	[tilespmem:$0x10C00] =	vst v63  }
0x37: {  	s16 =	sadd.s32 $0x80, s10;
	s9 =	simm.s32 $0x700  }
0x38: {  	[tilespmem:s9], [sflag:$0x3] =	stream.linear.gather [hbm4b:s16+s5], $0x80, $0x38;
	[tilespmem:$0x10C00] =	vst v63  }
0x39: {  	s18 =	sadd.s32 $0x100, s10;
	s29 =	simm.s32 $0x900  }
0x3a: {  	[tilespmem:s29], [sflag:$0x3] =	stream.linear.gather [hbm4b:s18+s5], $0x80, $0x38;
	[tilespmem:$0x10C00] =	vst v63  }
0x3b: {  	s9 =	sadd.s32 $0x180, s10;
	s10 =	simm.s32 $0xB00  }
0x3c: {  	[tilespmem:s10], [sflag:$0x3] =	stream.linear.gather [hbm4b:s9+s5], $0x80, $0x38;
	[tilespmem:$0x10C00] =	vst v63  }
0x3d: {  	s15 =	rddreg [dreg:$0x7]  }
0x3e: {  	[tilespmem:s23], [sflag:$0x4] =	stream.linear.gather [hbm4b:s15+s5], $0x80, $0x38;
	[tilespmem:$0x10C00] =	vst v63  }
0x3f: {  	s16 =	sadd.s32 $0x80, s15  }
0x40: {  	[tilespmem:s25], [sflag:$0x4] =	stream.linear.gather [hbm4b:s16+s5], $0x80, $0x38;
	[tilespmem:$0x10C00] =	vst v63  }
0x41: {  	s18 =	sadd.s32 $0x100, s15  }
0x42: {  	[tilespmem:s28], [sflag:$0x4] =	stream.linear.gather [hbm4b:s18+s5], $0x80, $0x38;
	[tilespmem:$0x10C00] =	vst v63  }
0x43: {  	s8 =	simm.s32 $0x0;
	s29 =	sadd.s32 $0x180, s15  }
0x44: {  	[tilespmem:s30], [sflag:$0x4] =	stream.linear.gather [hbm4b:s29+s5], $0x80, $0x38;
	[tilespmem:$0x10C00] =	vst v63  }
.LBB2_2:
0x45: {  	_ =	swait.ge [sflag:s31], $0x200  }
0x46: {  	p0 =	seq.s32 s8, $0x0;
	[sflag:s31] =	ssyncset.done $0x0  }
0x47: {  	s9 =	simm.s32 @!p0 $0x5;
	[sflag:s31] =	ssyncadd.s32 $0xFFFFFE00  }
0x48: {  	_ =	swait.ge @!p0 [sflag:s9], $0x8000  }
0x49: {  	[sflag:s9] =	ssyncset.done @!p0 $0x0  }
0x4a: {  	s7 =	sshll.u32 s8, $0x2;
	s15 =	simm.s32 $0x0;
	[sflag:s9] =	ssyncadd.s32 @!p0 $0xFFFF8000  }
.LBB2_3:
0x4b: {  	s9 =	sshll.u32 s15, $0x9;
	s10 =	sshll.u32 s15, $0x7  }
0x4c: {  	s9 =	sand.u32 $0x7000, s9;
	s10 =	sand.u32 $0x380, s10  }
0x4d: {  	s29 =	sshll.u32 s15, $0x4;
	s9 =	sor.u32 s10, s9  }
0x4e: {  	s29 =	sand.u32 $0x3FFFFFF0, s29;
	s9 =	sor.u32 $0xC00, s9  }
0x4f: {  	p1 =	por $0x1, $0x1;
	v0 =	vld [tilespmem:s29+$0x0];
	v1 =	vmov s9;
	s9 =	simm.s32 $0x0  }
.LBB2_4:
0x50: {  	s10 =	sshll.u32 s9, $0x6  }
0x51: {  	s10 =	sand.u32 $0x3FFFFFC0, s10  }
0x52: {  	v2 =	vld [tilespmem:s10+$0x400]  }
0x53: {  	v3 =	vld [tilespmem:s10+$0x410]  }
0x54: {  	v4 =	vld [tilespmem:s10+$0x420]  }
0x55: {  	v5 =	vld [tilespmem:s10+$0x430]  }
0x56: {  	s29 =	sshrl.u32 s9, $0x3;
	v6 =	vld [tilespmem:s10+$0x440]  }
0x57: {  	s16 =	sshll.u32 s9, $0x7;
	s29 =	sor.u32 $0x1, s29;
	v7 =	vld [tilespmem:s10+$0x450];
	v2 =	vperm.xlane v0, v2  }
0x58: {  	s9 =	sand.u32 $0x3FFFFF80, s16;
	v8 =	vld [tilespmem:s10+$0x460];
	s16 =	sshll.u32 s29, $0x9;
	v3 =	vperm.xlane v0, v3  }
0x59: {  	v9 =	vld [tilespmem:s10+$0x470];
	s10 =	sand.u32 $0x3FFFFE00, s16;
	[tilespmem:v1+s9+$0x0 ss:$0x1] =	vst.idx.msk $0xffff, v2;
	v2 =	vperm.xlane v0, v4  }
0x5a: {  	v56 =	vld [tilespmem:s10+$0x400];
	[tilespmem:v1+s9+$0x10 ss:$0x1] =	vst.idx.msk $0xffff, v3;
	v3 =	vperm.xlane v0, v5  }
0x5b: {  	v57 =	vld [tilespmem:s10+$0x410];
	[tilespmem:v1+s9+$0x20 ss:$0x1] =	vst.idx.msk $0xffff, v2;
	v2 =	vperm.xlane v0, v6  }
0x5c: {  	v58 =	vld [tilespmem:s10+$0x420];
	[tilespmem:v1+s9+$0x30 ss:$0x1] =	vst.idx.msk $0xffff, v3;
	v3 =	vperm.xlane v0, v7  }
0x5d: {  	v59 =	vld [tilespmem:s10+$0x430];
	[tilespmem:v1+s9+$0x40 ss:$0x1] =	vst.idx.msk $0xffff, v2;
	v2 =	vperm.xlane v0, v8  }
0x5e: {  	v60 =	vld [tilespmem:s10+$0x440];
	[tilespmem:v1+s9+$0x50 ss:$0x1] =	vst.idx.msk $0xffff, v3;
	v3 =	vperm.xlane v0, v9  }
0x5f: {  	s18 =	sshll.u32 s29, $0xA;
	v61 =	vld [tilespmem:s10+$0x450];
	[tilespmem:v1+s9+$0x60 ss:$0x1] =	vst.idx.msk $0xffff, v2;
	v2 =	vperm.xlane v0, v56  }
0x60: {  	s29 =	sand.u32 $0x3FFFFC00, s18;
	v62 =	vld [tilespmem:s10+$0x460];
	[tilespmem:v1+s9+$0x70 ss:$0x1] =	vst.idx.msk $0xffff, v3;
	v3 =	vperm.xlane v0, v57  }
0x61: {  	v63 =	vld [tilespmem:s10+$0x470];
	[tilespmem:v1+s29+$0x0 ss:$0x1] =	vst.idx.msk $0xffff, v2;
	v2 =	vperm.xlane v0, v58  }
0x62: {  	[tilespmem:v1+s29+$0x10 ss:$0x1] =	vst.idx.msk $0xffff, v3;
	v3 =	vperm.xlane v0, v59  }
0x63: {  	p2 =	por p1, p1;
	[tilespmem:v1+s29+$0x20 ss:$0x1] =	vst.idx.msk $0xffff, v2;
	v2 =	vperm.xlane v0, v60  }
.Ltmp2:
0x64: {  	[tilespmem:v1+s29+$0x30 ss:$0x1] =	vst.idx.msk $0xffff, v3;
	v3 =	vperm.xlane v0, v61;
	(pc) =	sbr.rel @p2 .LBB2_4-.Ltmp2, $4  }
0x65: {  	[tilespmem:v1+s29+$0x40 ss:$0x1] =	vst.idx.msk $0xffff, v2;
	v2 =	vperm.xlane v0, v62  }
0x66: {  	[tilespmem:v1+s29+$0x50 ss:$0x1] =	vst.idx.msk $0xffff, v3;
	v3 =	vperm.xlane v0, v63  }
0x67: {  	[tilespmem:v1+s29+$0x60 ss:$0x1] =	vst.idx.msk $0xffff, v2  }
0x68: {  	p1 =	por $0x0, $0x0;
	s9 =	simm.s32 $0x10;
	[tilespmem:v1+s29+$0x70 ss:$0x1] =	vst.idx.msk $0xffff, v3  }
0x69: {  	s15 =	sadd.s32 $0x1, s15  }
0x6a: {  	p1 =	sne.s32 s15, $0x40  }
.Ltmp3:
0x6b: {  	_ = 	snop;
	(pc) =	sbr.rel @p1 .LBB2_3-.Ltmp3, $1  }
0x6c: {  	_ =	sdelay $0x3  }
0x6d: {  	p1 =	sne.s32 s8, $0x31  }
.Ltmp4:
0x6e: {  	s9 =	sshll.u32 s8, $0x16;
	(pc) =	sbr.rel @p1 .LBB2_8-.Ltmp4, $4  }
0x6f: {  	s9 =	sor.u32 s6, s9  }
0x70: {  	s15 =	sshrl.u32 s9, $0x3  }
0x71: {  	s9 =	sadd.s32 s4, s15  }
0x72: {  	[hbm4b:s9+s2] =	stream.strided.scatter [tilespmem:s1], [sflag:$0x5], $0x8000, s0, s2, $0x38;
	[tilespmem:$0x10C00] =	vst v63  }
.Ltmp5:
0x73: {  	(pc) =	sbr.rel .LBB2_9-.Ltmp5, $4  }
0x74: {  	_ = 	snop  }
0x75: {  	_ =	swait.ge [sflag:s14], $0x200  }
0x76: {  	[sflag:s14] =	ssyncset.done $0x0  }
0x77: {  	[sflag:s14] =	ssyncadd.s32 $0xFFFFFE00  }
.LBB2_8:
0x78: {  	s9 =	sadd.s32 $0x4, s7  }
0x79: {  	s10 =	sshll.u32 s9, $0x7;
	s9 =	sshll.u32 s9, $0xE  }
0x7a: {  	s10 =	sand.u32 $0x200, s10;
	s9 =	sand.u32 $0x7E0000, s9  }
0x7b: {  	s9 =	sor.u32 s9, s10  }
0x7c: {  	s9 =	sor.u32 s6, s9  }
0x7d: {  	s9 =	sshrl.u32 s9, $0x3  }
0x7e: {  	s16 =	simm.s32 $0x400;
	s9 =	sadd.s32 s3, s9  }
0x7f: {  	[tilespmem:s16], [sflag:$0x1] =	stream.linear.gather [hbm4b:s9+s5], $0x80, $0x38;
	[tilespmem:$0x10C00] =	vst v63  }
0x80: {  	s18 =	sadd.s32 $0x80, s9;
	s16 =	simm.s32 $0x600  }
0x81: {  	[tilespmem:s16], [sflag:$0x1] =	stream.linear.gather [hbm4b:s18+s5], $0x80, $0x38;
	[tilespmem:$0x10C00] =	vst v63  }
0x82: {  	s29 =	sadd.s32 $0x100, s9  }
0x83: {  	[tilespmem:s20], [sflag:$0x1] =	stream.linear.gather [hbm4b:s29+s5], $0x80, $0x38;
	[tilespmem:$0x10C00] =	vst v63  }
.Ltmp6:
0x84: {  	s9 =	sadd.s32 $0x180, s9;
	(pc) =	sbr.rel @p0 .LBB2_10-.Ltmp6, $4  }
0x85: {  	[tilespmem:s22], [sflag:$0x1] =	stream.linear.gather [hbm4b:s9+s5], $0x80, $0x38;
	[tilespmem:$0x10C00] =	vst v63  }
0x86: {  	_ =	swait.ge [sflag:s14], $0x200  }
0x87: {  	[sflag:s14] =	ssyncset.done $0x0  }
0x88: {  	[sflag:s14] =	ssyncadd.s32 $0xFFFFFE00  }
.LBB2_9:
0x89: {  	_ =	swait.ge [sflag:s17], $0x8000  }
0x8a: {  	[sflag:s17] =	ssyncset.done $0x0  }
0x8b: {  	[sflag:s17] =	ssyncadd.s32 $0xFFFF8000  }
.LBB2_10:
0x8c: {  	s9 =	simm.s32 $0x0  }
.LBB2_11:
0x8d: {  	s10 =	sshll.u32 s9, $0x9;
	s16 =	sshll.u32 s9, $0x7  }
0x8e: {  	s10 =	sand.u32 $0x7000, s10;
	s16 =	sand.u32 $0x380, s16  }
0x8f: {  	s29 =	sshll.u32 s9, $0x4;
	s10 =	sor.u32 s16, s10  }
0x90: {  	s29 =	sand.u32 $0x3FFFFFF0, s29;
	s10 =	sor.u32 $0x8C00, s10  }
0x91: {  	p0 =	por $0x1, $0x1;
	v0 =	vld [tilespmem:s29+$0x0];
	v1 =	vmov s10;
	s10 =	simm.s32 $0x0  }
.LBB2_12:
0x92: {  	s16 =	sshll.u32 s10, $0x6  }
0x93: {  	s16 =	sand.u32 $0x3FFFFFC0, s16  }
0x94: {  	v2 =	vld [tilespmem:s16+$0x480]  }
0x95: {  	v3 =	vld [tilespmem:s16+$0x490]  }
0x96: {  	v4 =	vld [tilespmem:s16+$0x4A0]  }
0x97: {  	v5 =	vld [tilespmem:s16+$0x4B0]  }
0x98: {  	s29 =	sshrl.u32 s10, $0x3;
	v6 =	vld [tilespmem:s16+$0x4C0]  }
0x99: {  	s18 =	sshll.u32 s10, $0x7;
	s29 =	sor.u32 $0x1, s29;
	v7 =	vld [tilespmem:s16+$0x4D0];
	v2 =	vperm.xlane v0, v2  }
0x9a: {  	s10 =	sand.u32 $0x3FFFFF80, s18;
	v8 =	vld [tilespmem:s16+$0x4E0];
	s18 =	sshll.u32 s29, $0x9;
	v3 =	vperm.xlane v0, v3  }
0x9b: {  	v9 =	vld [tilespmem:s16+$0x4F0];
	s16 =	sand.u32 $0x3FFFFE00, s18;
	[tilespmem:v1+s10+$0x0 ss:$0x1] =	vst.idx.msk $0xffff, v2;
	v2 =	vperm.xlane v0, v4  }
0x9c: {  	v56 =	vld [tilespmem:s16+$0x480];
	[tilespmem:v1+s10+$0x10 ss:$0x1] =	vst.idx.msk $0xffff, v3;
	v3 =	vperm.xlane v0, v5  }
0x9d: {  	v57 =	vld [tilespmem:s16+$0x490];
	[tilespmem:v1+s10+$0x20 ss:$0x1] =	vst.idx.msk $0xffff, v2;
	v2 =	vperm.xlane v0, v6  }
0x9e: {  	v58 =	vld [tilespmem:s16+$0x4A0];
	[tilespmem:v1+s10+$0x30 ss:$0x1] =	vst.idx.msk $0xffff, v3;
	v3 =	vperm.xlane v0, v7  }
0x9f: {  	v59 =	vld [tilespmem:s16+$0x4B0];
	[tilespmem:v1+s10+$0x40 ss:$0x1] =	vst.idx.msk $0xffff, v2;
	v2 =	vperm.xlane v0, v8  }
0xa0: {  	v60 =	vld [tilespmem:s16+$0x4C0];
	[tilespmem:v1+s10+$0x50 ss:$0x1] =	vst.idx.msk $0xffff, v3;
	v3 =	vperm.xlane v0, v9  }
0xa1: {  	s29 =	sshll.u32 s29, $0xA;
	v61 =	vld [tilespmem:s16+$0x4D0];
	[tilespmem:v1+s10+$0x60 ss:$0x1] =	vst.idx.msk $0xffff, v2;
	v2 =	vperm.xlane v0, v56  }
0xa2: {  	s29 =	sand.u32 $0x3FFFFC00, s29;
	v62 =	vld [tilespmem:s16+$0x4E0];
	[tilespmem:v1+s10+$0x70 ss:$0x1] =	vst.idx.msk $0xffff, v3;
	v3 =	vperm.xlane v0, v57  }
0xa3: {  	v63 =	vld [tilespmem:s16+$0x4F0];
	[tilespmem:v1+s29+$0x0 ss:$0x1] =	vst.idx.msk $0xffff, v2;
	v2 =	vperm.xlane v0, v58  }
0xa4: {  	[tilespmem:v1+s29+$0x10 ss:$0x1] =	vst.idx.msk $0xffff, v3;
	v3 =	vperm.xlane v0, v59  }
0xa5: {  	p1 =	por p0, p0;
	[tilespmem:v1+s29+$0x20 ss:$0x1] =	vst.idx.msk $0xffff, v2;
	v2 =	vperm.xlane v0, v60  }
.Ltmp7:
0xa6: {  	[tilespmem:v1+s29+$0x30 ss:$0x1] =	vst.idx.msk $0xffff, v3;
	v3 =	vperm.xlane v0, v61;
	(pc) =	sbr.rel @p1 .LBB2_12-.Ltmp7, $4  }
0xa7: {  	[tilespmem:v1+s29+$0x40 ss:$0x1] =	vst.idx.msk $0xffff, v2;
	v2 =	vperm.xlane v0, v62  }
0xa8: {  	[tilespmem:v1+s29+$0x50 ss:$0x1] =	vst.idx.msk $0xffff, v3;
	v3 =	vperm.xlane v0, v63  }
0xa9: {  	[tilespmem:v1+s29+$0x60 ss:$0x1] =	vst.idx.msk $0xffff, v2  }
0xaa: {  	p0 =	por $0x0, $0x0;
	s10 =	simm.s32 $0x10;
	[tilespmem:v1+s29+$0x70 ss:$0x1] =	vst.idx.msk $0xffff, v3  }
0xab: {  	s9 =	sadd.s32 $0x1, s9  }
0xac: {  	p0 =	sne.s32 s9, $0x40  }
.Ltmp8:
0xad: {  	_ = 	snop;
	(pc) =	sbr.rel @p0 .LBB2_11-.Ltmp8, $1  }
0xae: {  	_ =	sdelay $0x3  }
0xaf: {  	p0 =	seq.s32 s8, $0x31;
	s9 =	sadd.s32 s15, s11  }
0xb0: {  	[hbm4b:s9+s2] =	stream.strided.scatter [tilespmem:s19], [sflag:$0x6], $0x8000, s0, s2, $0x38;
	[tilespmem:$0x10C00] =	vst v63  }
0xb1: {  	s9 =	sadd.s32 @!p0 $0x5, s7  }
0xb2: {  	s10 =	sshll.u32 @!p0 s9, $0x7;
	s9 =	sshll.u32 @!p0 s9, $0xE  }
0xb3: {  	s10 =	sand.u32 @!p0 $0x280, s10;
	s9 =	sand.u32 @!p0 $0x7E0000, s9  }
0xb4: {  	s9 =	sor.u32 @!p0 s9, s10  }
0xb5: {  	s9 =	sor.u32 @!p0 s6, s9  }
0xb6: {  	s9 =	sshrl.u32 @!p0 s9, $0x3  }
0xb7: {  	s16 =	simm.s32 @!p0 $0x480;
	s10 =	simm.s32 @!p0 $0x0;
	s9 =	sadd.s32 @!p0 s3, s9  }
0xb8: {  	[tilespmem:s16], [sflag:$0x2] =	stream.linear.gather @!p0 [hbm4b:s9+s10], $0x80, $0x38;
	[tilespmem:$0x10C00] =	vst v63  }
0xb9: {  	s18 =	simm.s32 @!p0 $0x680;
	s16 =	sadd.s32 @!p0 $0x80, s9  }
0xba: {  	[tilespmem:s18], [sflag:$0x2] =	stream.linear.gather @!p0 [hbm4b:s16+s10], $0x80, $0x38;
	[tilespmem:$0x10C00] =	vst v63  }
0xbb: {  	s16 =	sadd.s32 @!p0 $0x100, s9;
	s18 =	simm.s32 @!p0 $0x880  }
0xbc: {  	[tilespmem:s18], [sflag:$0x2] =	stream.linear.gather @!p0 [hbm4b:s16+s10], $0x80, $0x38;
	[tilespmem:$0x10C00] =	vst v63  }
0xbd: {  	s9 =	sadd.s32 @!p0 $0x180, s9;
	s16 =	simm.s32 @!p0 $0xA80  }
0xbe: {  	[tilespmem:s16], [sflag:$0x2] =	stream.linear.gather @!p0 [hbm4b:s9+s10], $0x80, $0x38;
	[tilespmem:$0x10C00] =	vst v63  }
0xbf: {  	_ =	swait.ge [sflag:s21], $0x200  }
0xc0: {  	[sflag:s21] =	ssyncset.done $0x0  }
0xc1: {  	[sflag:s21] =	ssyncadd.s32 $0xFFFFFE00  }
0xc2: {  	_ =	swait.ge [sflag:s24], $0x8000  }
0xc3: {  	[sflag:s24] =	ssyncset.done $0x0  }
0xc4: {  	s9 =	simm.s32 $0x0;
	[sflag:s24] =	ssyncadd.s32 $0xFFFF8000  }
.LBB2_15:
0xc5: {  	s10 =	sshll.u32 s9, $0x9;
	s16 =	sshll.u32 s9, $0x7  }
0xc6: {  	s10 =	sand.u32 $0x7000, s10;
	s16 =	sand.u32 $0x380, s16  }
0xc7: {  	s18 =	sshll.u32 s9, $0x4;
	s10 =	sor.u32 s16, s10  }
0xc8: {  	s29 =	sand.u32 $0x3FFFFFF0, s18;
	s10 =	sor.u32 $0xC00, s10  }
0xc9: {  	p1 =	por $0x1, $0x1;
	v0 =	vld [tilespmem:s29+$0x0];
	v1 =	vmov s10;
	s10 =	simm.s32 $0x0  }
.LBB2_16:
0xca: {  	s16 =	sshll.u32 s10, $0x6  }
0xcb: {  	s16 =	sand.u32 $0x3FFFFFC0, s16  }
0xcc: {  	v2 =	vld [tilespmem:s16+$0x500]  }
0xcd: {  	v3 =	vld [tilespmem:s16+$0x510]  }
0xce: {  	v4 =	vld [tilespmem:s16+$0x520]  }
0xcf: {  	v5 =	vld [tilespmem:s16+$0x530]  }
0xd0: {  	s18 =	sshrl.u32 s10, $0x3;
	v6 =	vld [tilespmem:s16+$0x540]  }
0xd1: {  	s29 =	sshll.u32 s10, $0x7;
	s18 =	sor.u32 $0x1, s18;
	v7 =	vld [tilespmem:s16+$0x550];
	v2 =	vperm.xlane v0, v2  }
0xd2: {  	s10 =	sand.u32 $0x3FFFFF80, s29;
	v8 =	vld [tilespmem:s16+$0x560];
	s29 =	sshll.u32 s18, $0x9;
	v3 =	vperm.xlane v0, v3  }
0xd3: {  	v9 =	vld [tilespmem:s16+$0x570];
	s16 =	sand.u32 $0x3FFFFE00, s29;
	[tilespmem:v1+s10+$0x0 ss:$0x1] =	vst.idx.msk $0xffff, v2;
	v2 =	vperm.xlane v0, v4  }
0xd4: {  	v56 =	vld [tilespmem:s16+$0x500];
	[tilespmem:v1+s10+$0x10 ss:$0x1] =	vst.idx.msk $0xffff, v3;
	v3 =	vperm.xlane v0, v5  }
0xd5: {  	v57 =	vld [tilespmem:s16+$0x510];
	[tilespmem:v1+s10+$0x20 ss:$0x1] =	vst.idx.msk $0xffff, v2;
	v2 =	vperm.xlane v0, v6  }
0xd6: {  	v58 =	vld [tilespmem:s16+$0x520];
	[tilespmem:v1+s10+$0x30 ss:$0x1] =	vst.idx.msk $0xffff, v3;
	v3 =	vperm.xlane v0, v7  }
0xd7: {  	v59 =	vld [tilespmem:s16+$0x530];
	[tilespmem:v1+s10+$0x40 ss:$0x1] =	vst.idx.msk $0xffff, v2;
	v2 =	vperm.xlane v0, v8  }
0xd8: {  	v60 =	vld [tilespmem:s16+$0x540];
	[tilespmem:v1+s10+$0x50 ss:$0x1] =	vst.idx.msk $0xffff, v3;
	v3 =	vperm.xlane v0, v9  }
0xd9: {  	s18 =	sshll.u32 s18, $0xA;
	v61 =	vld [tilespmem:s16+$0x550];
	[tilespmem:v1+s10+$0x60 ss:$0x1] =	vst.idx.msk $0xffff, v2;
	v2 =	vperm.xlane v0, v56  }
0xda: {  	s29 =	sand.u32 $0x3FFFFC00, s18;
	v62 =	vld [tilespmem:s16+$0x560];
	[tilespmem:v1+s10+$0x70 ss:$0x1] =	vst.idx.msk $0xffff, v3;
	v3 =	vperm.xlane v0, v57  }
0xdb: {  	v63 =	vld [tilespmem:s16+$0x570];
	[tilespmem:v1+s29+$0x0 ss:$0x1] =	vst.idx.msk $0xffff, v2;
	v2 =	vperm.xlane v0, v58  }
0xdc: {  	[tilespmem:v1+s29+$0x10 ss:$0x1] =	vst.idx.msk $0xffff, v3;
	v3 =	vperm.xlane v0, v59  }
0xdd: {  	p2 =	por p1, p1;
	[tilespmem:v1+s29+$0x20 ss:$0x1] =	vst.idx.msk $0xffff, v2;
	v2 =	vperm.xlane v0, v60  }
.Ltmp9:
0xde: {  	[tilespmem:v1+s29+$0x30 ss:$0x1] =	vst.idx.msk $0xffff, v3;
	v3 =	vperm.xlane v0, v61;
	(pc) =	sbr.rel @p2 .LBB2_16-.Ltmp9, $4  }
0xdf: {  	[tilespmem:v1+s29+$0x40 ss:$0x1] =	vst.idx.msk $0xffff, v2;
	v2 =	vperm.xlane v0, v62  }
0xe0: {  	[tilespmem:v1+s29+$0x50 ss:$0x1] =	vst.idx.msk $0xffff, v3;
	v3 =	vperm.xlane v0, v63  }
0xe1: {  	[tilespmem:v1+s29+$0x60 ss:$0x1] =	vst.idx.msk $0xffff, v2  }
0xe2: {  	p1 =	por $0x0, $0x0;
	s10 =	simm.s32 $0x10;
	[tilespmem:v1+s29+$0x70 ss:$0x1] =	vst.idx.msk $0xffff, v3  }
0xe3: {  	s9 =	sadd.s32 $0x1, s9  }
0xe4: {  	p1 =	sne.s32 s9, $0x40  }
.Ltmp10:
0xe5: {  	_ = 	snop;
	(pc) =	sbr.rel @p1 .LBB2_15-.Ltmp10, $1  }
0xe6: {  	_ =	sdelay $0x3  }
0xe7: {  	s9 =	sadd.s32 s15, s12  }
0xe8: {  	[hbm4b:s9+s2] =	stream.strided.scatter [tilespmem:s1], [sflag:$0x5], $0x8000, s0, s2, $0x38;
	[tilespmem:$0x10C00] =	vst v63  }
0xe9: {  	s9 =	sadd.s32 @!p0 $0x6, s7  }
0xea: {  	s10 =	sshll.u32 @!p0 s9, $0x7;
	s9 =	sshll.u32 @!p0 s9, $0xE  }
0xeb: {  	s10 =	sand.u32 @!p0 $0x300, s10;
	s9 =	sand.u32 @!p0 $0x7E0000, s9  }
0xec: {  	s9 =	sor.u32 @!p0 s9, s10  }
0xed: {  	s9 =	sor.u32 @!p0 s6, s9  }
0xee: {  	s9 =	sshrl.u32 @!p0 s9, $0x3  }
0xef: {  	s16 =	simm.s32 @!p0 $0x500;
	s10 =	simm.s32 @!p0 $0x0;
	s9 =	sadd.s32 @!p0 s3, s9  }
0xf0: {  	[tilespmem:s16], [sflag:$0x3] =	stream.linear.gather @!p0 [hbm4b:s9+s10], $0x80, $0x38;
	[tilespmem:$0x10C00] =	vst v63  }
0xf1: {  	s18 =	simm.s32 @!p0 $0x700;
	s16 =	sadd.s32 @!p0 $0x80, s9  }
0xf2: {  	[tilespmem:s18], [sflag:$0x3] =	stream.linear.gather @!p0 [hbm4b:s16+s10], $0x80, $0x38;
	[tilespmem:$0x10C00] =	vst v63  }
0xf3: {  	s16 =	sadd.s32 @!p0 $0x100, s9;
	s18 =	simm.s32 @!p0 $0x900  }
0xf4: {  	[tilespmem:s18], [sflag:$0x3] =	stream.linear.gather @!p0 [hbm4b:s16+s10], $0x80, $0x38;
	[tilespmem:$0x10C00] =	vst v63  }
0xf5: {  	s9 =	sadd.s32 @!p0 $0x180, s9;
	s16 =	simm.s32 @!p0 $0xB00  }
0xf6: {  	[tilespmem:s16], [sflag:$0x3] =	stream.linear.gather @!p0 [hbm4b:s9+s10], $0x80, $0x38;
	[tilespmem:$0x10C00] =	vst v63  }
0xf7: {  	_ =	swait.ge [sflag:s26], $0x200  }
0xf8: {  	[sflag:s26] =	ssyncset.done $0x0  }
0xf9: {  	[sflag:s26] =	ssyncadd.s32 $0xFFFFFE00  }
0xfa: {  	_ =	swait.ge [sflag:s17], $0x8000  }
0xfb: {  	[sflag:s17] =	ssyncset.done $0x0  }
0xfc: {  	s9 =	simm.s32 $0x0;
	[sflag:s17] =	ssyncadd.s32 $0xFFFF8000  }
.LBB2_19:
0xfd: {  	s10 =	sshll.u32 s9, $0x9;
	s16 =	sshll.u32 s9, $0x7  }
0xfe: {  	s10 =	sand.u32 $0x7000, s10;
	s16 =	sand.u32 $0x380, s16  }
0xff: {  	s18 =	sshll.u32 s9, $0x4;
	s10 =	sor.u32 s16, s10  }
0x100: {  	s29 =	sand.u32 $0x3FFFFFF0, s18;
	s10 =	sor.u32 $0x8C00, s10  }
0x101: {  	p1 =	por $0x1, $0x1;
	v0 =	vld [tilespmem:s29+$0x0];
	v1 =	vmov s10;
	s10 =	simm.s32 $0x0  }
.LBB2_20:
0x102: {  	s16 =	sshll.u32 s10, $0x6  }
0x103: {  	s16 =	sand.u32 $0x3FFFFFC0, s16  }
0x104: {  	v2 =	vld [tilespmem:s16+$0x580]  }
0x105: {  	v3 =	vld [tilespmem:s16+$0x590]  }
0x106: {  	v4 =	vld [tilespmem:s16+$0x5A0]  }
0x107: {  	v5 =	vld [tilespmem:s16+$0x5B0]  }
0x108: {  	s18 =	sshrl.u32 s10, $0x3;
	v6 =	vld [tilespmem:s16+$0x5C0]  }
0x109: {  	s29 =	sshll.u32 s10, $0x7;
	s18 =	sor.u32 $0x1, s18;
	v7 =	vld [tilespmem:s16+$0x5D0];
	v2 =	vperm.xlane v0, v2  }
0x10a: {  	s10 =	sand.u32 $0x3FFFFF80, s29;
	v8 =	vld [tilespmem:s16+$0x5E0];
	s29 =	sshll.u32 s18, $0x9;
	v3 =	vperm.xlane v0, v3  }
0x10b: {  	v9 =	vld [tilespmem:s16+$0x5F0];
	s16 =	sand.u32 $0x3FFFFE00, s29;
	[tilespmem:v1+s10+$0x0 ss:$0x1] =	vst.idx.msk $0xffff, v2;
	v2 =	vperm.xlane v0, v4  }
0x10c: {  	v56 =	vld [tilespmem:s16+$0x580];
	[tilespmem:v1+s10+$0x10 ss:$0x1] =	vst.idx.msk $0xffff, v3;
	v3 =	vperm.xlane v0, v5  }
0x10d: {  	v57 =	vld [tilespmem:s16+$0x590];
	[tilespmem:v1+s10+$0x20 ss:$0x1] =	vst.idx.msk $0xffff, v2;
	v2 =	vperm.xlane v0, v6  }
0x10e: {  	v58 =	vld [tilespmem:s16+$0x5A0];
	[tilespmem:v1+s10+$0x30 ss:$0x1] =	vst.idx.msk $0xffff, v3;
	v3 =	vperm.xlane v0, v7  }
0x10f: {  	v59 =	vld [tilespmem:s16+$0x5B0];
	[tilespmem:v1+s10+$0x40 ss:$0x1] =	vst.idx.msk $0xffff, v2;
	v2 =	vperm.xlane v0, v8  }
0x110: {  	v60 =	vld [tilespmem:s16+$0x5C0];
	[tilespmem:v1+s10+$0x50 ss:$0x1] =	vst.idx.msk $0xffff, v3;
	v3 =	vperm.xlane v0, v9  }
0x111: {  	s18 =	sshll.u32 s18, $0xA;
	v61 =	vld [tilespmem:s16+$0x5D0];
	[tilespmem:v1+s10+$0x60 ss:$0x1] =	vst.idx.msk $0xffff, v2;
	v2 =	vperm.xlane v0, v56  }
0x112: {  	s29 =	sand.u32 $0x3FFFFC00, s18;
	v62 =	vld [tilespmem:s16+$0x5E0];
	[tilespmem:v1+s10+$0x70 ss:$0x1] =	vst.idx.msk $0xffff, v3;
	v3 =	vperm.xlane v0, v57  }
0x113: {  	v63 =	vld [tilespmem:s16+$0x5F0];
	[tilespmem:v1+s29+$0x0 ss:$0x1] =	vst.idx.msk $0xffff, v2;
	v2 =	vperm.xlane v0, v58  }
0x114: {  	[tilespmem:v1+s29+$0x10 ss:$0x1] =	vst.idx.msk $0xffff, v3;
	v3 =	vperm.xlane v0, v59  }
0x115: {  	p2 =	por p1, p1;
	[tilespmem:v1+s29+$0x20 ss:$0x1] =	vst.idx.msk $0xffff, v2;
	v2 =	vperm.xlane v0, v60  }
.Ltmp11:
0x116: {  	[tilespmem:v1+s29+$0x30 ss:$0x1] =	vst.idx.msk $0xffff, v3;
	v3 =	vperm.xlane v0, v61;
	(pc) =	sbr.rel @p2 .LBB2_20-.Ltmp11, $4  }
0x117: {  	[tilespmem:v1+s29+$0x40 ss:$0x1] =	vst.idx.msk $0xffff, v2;
	v2 =	vperm.xlane v0, v62  }
0x118: {  	[tilespmem:v1+s29+$0x50 ss:$0x1] =	vst.idx.msk $0xffff, v3;
	v3 =	vperm.xlane v0, v63  }
0x119: {  	[tilespmem:v1+s29+$0x60 ss:$0x1] =	vst.idx.msk $0xffff, v2  }
0x11a: {  	p1 =	por $0x0, $0x0;
	s10 =	simm.s32 $0x10;
	[tilespmem:v1+s29+$0x70 ss:$0x1] =	vst.idx.msk $0xffff, v3  }
0x11b: {  	s9 =	sadd.s32 $0x1, s9  }
0x11c: {  	p1 =	sne.s32 s9, $0x40  }
.Ltmp12:
0x11d: {  	_ = 	snop;
	(pc) =	sbr.rel @p1 .LBB2_19-.Ltmp12, $1  }
0x11e: {  	_ =	sdelay $0x3  }
.Ltmp13:
0x11f: {  	(pc) =	sbr.rel @p0 .LBB2_24-.Ltmp13, $3  }
0x120: {  	_ =	sdelay $0x1  }
0x121: {  	s9 =	sadd.s32 s15, s13  }
0x122: {  	[hbm4b:s9+s2] =	stream.strided.scatter [tilespmem:s19], [sflag:$0x6], $0x8000, s0, s2, $0x38;
	[tilespmem:$0x10C00] =	vst v63  }
0x123: {  	s7 =	sadd.s32 $0x7, s7  }
0x124: {  	s9 =	sshll.u32 s7, $0x7;
	s7 =	sshll.u32 s7, $0xE  }
0x125: {  	s9 =	sand.u32 $0x380, s9;
	s7 =	sand.u32 $0x7E0000, s7  }
0x126: {  	s7 =	sor.u32 s7, s9  }
0x127: {  	s7 =	sor.u32 s6, s7  }
0x128: {  	s7 =	sshrl.u32 s7, $0x3  }
0x129: {  	s7 =	sadd.s32 s3, s7  }
0x12a: {  	[tilespmem:s23], [sflag:$0x4] =	stream.linear.gather [hbm4b:s7+s5], $0x80, $0x38;
	[tilespmem:$0x10C00] =	vst v63  }
0x12b: {  	s18 =	sadd.s32 $0x80, s7  }
0x12c: {  	[tilespmem:s25], [sflag:$0x4] =	stream.linear.gather [hbm4b:s18+s5], $0x80, $0x38;
	[tilespmem:$0x10C00] =	vst v63  }
.Ltmp14:
0x12d: {  	_ = 	snop;
	(pc) =	sbr.rel .LBB2_2-.Ltmp14, $4  }
0x12e: {  	s29 =	sadd.s32 $0x100, s7  }
0x12f: {  	[tilespmem:s28], [sflag:$0x4] =	stream.linear.gather [hbm4b:s29+s5], $0x80, $0x38;
	[tilespmem:$0x10C00] =	vst v63  }
0x130: {  	s8 =	sadd.s32 $0x1, s8;
	s7 =	sadd.s32 $0x180, s7  }
0x131: {  	[tilespmem:s30], [sflag:$0x4] =	stream.linear.gather [hbm4b:s7+s5], $0x80, $0x38;
	[tilespmem:$0x10C00] =	vst v63  }
.LBB2_25:
0x132: {  	_ =	sfence.sel $0x180000  }
0x133: {  	[bflag:$0x0] =	sbarrier.arrive $0xFFFF  }
0x134: {  	_ =	strace $0x90000047  }
0x135: {  	s0 =	stileid.u32;
	[bflag:$0x2] =	sbarrier.arrive $0xFFFF  }
0x136: {  	p0 =	sne.s32 s0, $0x0;
	s0 =	rddreg [dreg:$0x3]  }
0x137: {  	s0 =	sadd.s32 @!p0 $0x100000, s0  }
0x138: {  	[sflag:s0] =	ssyncadd.tile.s32 @!p0 $0x1;
	_ =	shalt  }
.Lfunc_end2:
_tile_overlayer_lowered:
.L_overlay_start_2:
0x139: {  	(tag) =	ssettag $0x2  }
0x13a: {  	s0 =	rddreg [dreg:$0x0];
	s2 =	stileid.u32  }
0x13b: {  	s1 =	rddreg [dreg:$0x1];
	p0 =	sne.s32 s2, $0x0  }
0x13c: {  	s3 =	rddreg [dreg:$0x2];
	[bflag:$0x3] =	sbarrier.arrive $0xFFFF;
	s2 =	simm.s32 @!p0 $0x1C07  }
0x13d: {  	[timem:s3], [sflag:s2] =	dma.local @!p0 [hbm:s0], s1  }
0x13e: {  	s0 =	simm.s32 @!p0 $0x7  }
0x13f: {  	_ =	swait.ge @!p0 [sflag:s0], s1  }
0x140: {  	s1 =	ssub.s32 @!p0 $0x0, s1;
	[sflag:s0] =	ssyncset.done @!p0 $0x0  }
0x141: {  	[sflag:s0] =	ssyncadd.s32 @!p0 s1  }
0x142: {  	[bflag:$0x3] =	sbarrier.arrive $0xFFFF  }
0x143: {  	_ =	shalt  }

</sc_bundles>
